<compile_context>
chip_gen: v7x
topology: tpu7x:2x2x1
jax: 0.10.2.dev20260603
libtpu: 0.0.44.dev20260713+nightly
codegen_flags: <defaults>
</compile_context>

<pallas_src>
import functools

import jax
import jax.numpy as jnp
from jax import lax
from jax.experimental import pallas as pl
from jax.experimental.pallas import tpu as pltpu
from jax.experimental.pallas import tpu_sc as plsc

def _acosh(z):
    return jnp.log(z + jnp.sqrt((z - 1.0) * (z + 1.0)))


N_USERS = 2000
N_ITEMS = 8000
N_NODES = 10000
D = 128
N_EDGES = 320000
N_PAIRS = 4096

PAD_NODES = 10112
NW = 32
EG = 128
GPT = 80
CH = 40
NCH = GPT // CH
TOT_GROUPS = NW * GPT
NE_PAD = TOT_GROUPS * EG
ROWS_PER_TILE = PAD_NODES // 16


def _encode_body(x_ref, w_ref, m_ref):
    x = x_ref[...]
    lane = lax.broadcasted_iota(jnp.int32, x.shape, 1)
    is0 = lane == 0
    xs = jnp.where(is0, 0.0, x)
    s = jnp.sum(xs * xs, axis=-1, keepdims=True)
    x0 = jnp.sqrt(1.0 + s)
    dd = _acosh(jnp.maximum(x0, 1.0 + 1e-7))
    nrm = jnp.maximum(jnp.sqrt(s), 1e-7)
    t = (dd / nrm) * xs
    m = jnp.dot(t, w_ref[...], preferred_element_type=jnp.float32)
    m_ref[...] = jnp.where(is0, 1.0, m)


def _encode(x, w):
    return pl.pallas_call(
        _encode_body,
        out_shape=jax.ShapeDtypeStruct((PAD_NODES, D), jnp.float32),
    )(x, w)


def _edge_agg(m, idx, zeros):
    mesh = plsc.VectorSubcoreMesh(core_axis_name="c", subcore_axis_name="s")

    @functools.partial(
        pl.kernel,
        mesh=mesh,
        out_type=jax.ShapeDtypeStruct((2, PAD_NODES, D), jnp.float32),
        scratch_types=[
            pltpu.VMEM((2, CH, EG), jnp.int32),
            pltpu.VMEM((EG, D), jnp.float32),
            pltpu.VMEM((EG, D), jnp.float32),
            pltpu.VMEM_SHARED((PAD_NODES, D), jnp.float32),
            pltpu.SemaphoreType.DMA,
            pltpu.SemaphoreType.DMA,
        ],
    )
    def body(m_hbm, idx_hbm, zero_hbm, out_hbm,
             idx_v, rows0_v, rows1_v, agg_sh, sem0, sem1):
        c = lax.axis_index("c")
        s = lax.axis_index("s")
        wid = s * 2 + c
        rows = (rows0_v, rows1_v)
        sems = (sem0, sem1)

        pltpu.sync_copy(zero_hbm.at[pl.ds(s * ROWS_PER_TILE, ROWS_PER_TILE)],
                        agg_sh.at[pl.ds(s * ROWS_PER_TILE, ROWS_PER_TILE)])
        plsc.subcore_barrier()

        def chunk_body(ch, carry):
            pltpu.sync_copy(idx_hbm.at[wid * NCH + ch], idx_v)
            pltpu.async_copy(m_hbm.at[idx_v.at[0, 0]], rows0_v, sem0)
            pltpu.async_copy(m_hbm.at[idx_v.at[0, 1]], rows1_v, sem1)

            def step(i, carry2):
                g = 2 * i
                for b in range(2):
                    pltpu.make_async_copy(
                        m_hbm.at[idx_v.at[0, g + b]], rows[b], sems[b]).wait()
                    pltpu.sync_copy(rows[b], agg_sh.at[idx_v.at[1, g + b]],
                                    add=True)

                    @pl.when(g + b + 2 < CH)
                    def _():
                        pltpu.async_copy(
                            m_hbm.at[idx_v.at[0, g + b + 2]], rows[b], sems[b])
                return carry2

            lax.fori_loop(0, CH // 2, step, 0)
            return carry

        lax.fori_loop(0, NCH, chunk_body, 0)

        plsc.subcore_barrier()
        pltpu.sync_copy(agg_sh.at[pl.ds(s * ROWS_PER_TILE, ROWS_PER_TILE)],
                        out_hbm.at[c].at[pl.ds(s * ROWS_PER_TILE, ROWS_PER_TILE)])

    return body(m, idx, zeros)


def _update_body(m_ref, a_ref, h_ref):
    m = m_ref[...]
    a = a_ref[0] + a_ref[1]
    lane = lax.broadcasted_iota(jnp.int32, m.shape, 1)
    is0 = lane == 0
    deg = jnp.sum(jnp.where(is0, a, 0.0), axis=-1, keepdims=True)
    deg = jnp.maximum(deg, 1.0)
    vs = jnp.where(is0, 0.0, m + a / deg)
    n = jnp.maximum(jnp.sqrt(jnp.sum(vs * vs, axis=-1, keepdims=True)), 1e-7)
    sinh_n = 0.5 * (jnp.exp(n) - jnp.exp(-n))
    xs = (sinh_n / n) * vs
    x0 = jnp.sqrt(1.0 + jnp.sum(xs * xs, axis=-1, keepdims=True))
    h_ref[...] = jnp.where(is0, x0, xs)


def _update(m, agg2):
    return pl.pallas_call(
        _update_body,
        out_shape=jax.ShapeDtypeStruct((PAD_NODES, D), jnp.float32),
    )(m, agg2)


def _pair_gather(h, pu, pv):
    mesh = plsc.VectorSubcoreMesh(core_axis_name="c", subcore_axis_name="s")

    @functools.partial(
        pl.kernel,
        mesh=mesh,
        out_type=jax.ShapeDtypeStruct((2, N_PAIRS, D), jnp.float32),
        scratch_types=[
            pltpu.VMEM((EG,), jnp.int32),
            pltpu.VMEM((EG, D), jnp.float32),
            pltpu.SemaphoreType.DMA,
        ],
    )
    def body(h_hbm, pu_hbm, pv_hbm, out_hbm, idx_v, rows_v, sem):
        c = lax.axis_index("c")
        s = lax.axis_index("s")
        wid = s * 2 + c
        off = wid * EG
        pltpu.sync_copy(pu_hbm.at[pl.ds(off, EG)], idx_v)
        pltpu.async_copy(h_hbm.at[idx_v], rows_v, sem).wait()
        pltpu.sync_copy(rows_v, out_hbm.at[0].at[pl.ds(off, EG)])
        pltpu.sync_copy(pv_hbm.at[pl.ds(off, EG)], idx_v)
        pltpu.async_copy(h_hbm.at[idx_v], rows_v, sem).wait()
        pltpu.sync_copy(rows_v, out_hbm.at[1].at[pl.ds(off, EG)])

    return body(h, pu, pv)


def _dist_body(g_ref, o_ref):
    eu = g_ref[0]
    ev = g_ref[1]
    p = eu * ev
    lane = lax.broadcasted_iota(jnp.int32, p.shape, 1)
    is0 = lane == 0
    p0 = jnp.sum(jnp.where(is0, p, 0.0), axis=-1, keepdims=True)
    rest = jnp.sum(jnp.where(is0, 0.0, p), axis=-1, keepdims=True)
    neg_inner = p0 - rest
    d = _acosh(jnp.maximum(neg_inner, 1.0 + 1e-5))
    o_ref[...] = jnp.broadcast_to(jnp.minimum(d * d, 15.0), p.shape)


def _dist(gath):
    return pl.pallas_call(
        _dist_body,
        out_shape=jax.ShapeDtypeStruct((N_PAIRS, D), jnp.float32),
    )(gath)


def kernel(utg, vtg, W, edge_index, pair_idx):
    x = jnp.concatenate(
        [utg, vtg, jnp.zeros((PAD_NODES - N_NODES, D), jnp.float32)], axis=0)
    m = _encode(x, W)

    n_pad_e = NE_PAD - N_EDGES
    pad = (N_NODES
           + jnp.arange(n_pad_e, dtype=jnp.int32) % (PAD_NODES - N_NODES))
    src = jnp.concatenate([edge_index[0].astype(jnp.int32), pad])
    dst = jnp.concatenate([edge_index[1].astype(jnp.int32), pad])
    idx = jnp.stack([src.reshape(NW * NCH, CH, EG),
                     dst.reshape(NW * NCH, CH, EG)], axis=1)
    zeros = jnp.zeros((PAD_NODES, D), jnp.float32)
    agg2 = _edge_agg(m, idx, zeros)

    h = _update(m, agg2)

    pu = pair_idx[:, 0].astype(jnp.int32)
    pv = pair_idx[:, 1].astype(jnp.int32)
    gath = _pair_gather(h, pu, pv)

    out = _dist(gath)
    return out[:, :1]

# --- scband reference (transcript-rebuilt; emitter-appended) ---
"""Pipeline reference for scband-logi-rec-63136019251244 (READ-ONLY COPY).

The authoritative reference and input builder live on the scoring server;
editing this copy changes nothing except your own understanding.
"""

import jax, jax.numpy as jnp
import numpy as np

N_USERS = 2000
N_ITEMS = 8000
N_NODES = 10000
D = 128
N_EDGES = 320000
N_PAIRS = 4096


def _projx(x):
    # Lorentz manifold projection (c=1): x0 = sqrt(1 + ||x_spatial||^2)
    xs = x[:, 1:]
    x0 = jnp.sqrt(1.0 + jnp.sum(xs * xs, axis=-1, keepdims=True))
    return jnp.concatenate([x0, xs], axis=-1)


def _logmap0(x):
    x0 = x[:, :1]
    xs = x[:, 1:]
    d = jnp.arccosh(jnp.clip(x0, 1.0 + 1e-7, None))
    nrm = jnp.clip(jnp.linalg.norm(xs, axis=-1, keepdims=True), 1e-7, None)
    vs = d * xs / nrm
    return jnp.concatenate([jnp.zeros_like(x0), vs], axis=-1)


def _expmap0(v):
    vs = v[:, 1:]
    n = jnp.clip(jnp.linalg.norm(vs, axis=-1, keepdims=True), 1e-7, None)
    x0 = jnp.cosh(n)
    xs = jnp.sinh(n) / n * vs
    return jnp.concatenate([x0, xs], axis=-1)


def _dist2(x, y):
    # Lorentz squared distance, clamped to 15.0 as in LogiRec.decode
    prod = x * y
    inner_l = -prod[:, 0] + jnp.sum(prod[:, 1:], axis=-1)
    d = jnp.arccosh(jnp.clip(-inner_l, 1.0 + 1e-5, None))
    return jnp.clip((d * d)[:, None], None, 15.0)


def setup_inputs(seed: int = 0) -> dict:
    key = jax.random.key(seed)
    k1, k2, k3, k4, k5 = jax.random.split(key, 5)
    utg = jax.random.normal(k1, (N_USERS, D), dtype=jnp.float32) * 0.5
    vtg = jax.random.normal(k2, (N_ITEMS, D), dtype=jnp.float32) * 0.5
    W = jax.random.normal(k3, (D, D), dtype=jnp.float32) * 0.05
    edge_index = jax.random.randint(k4, (2, N_EDGES), 0, N_NODES)
    pair_idx = jax.random.randint(k5, (N_PAIRS, 2), 0, N_NODES)
    return {"utg": utg, "vtg": vtg, "W": W, "edge_index": edge_index, "pair_idx": pair_idx}


def reference(utg, vtg, W, edge_index, pair_idx):
    # encode: project user/item embeddings onto the Lorentz manifold, concat,
    # run one hyperbolic GCN layer (logmap0 -> linear -> neighbor mean aggregation -> expmap0)
    x2 = jnp.concatenate([_projx(utg), _projx(vtg)], axis=0)
    t = _logmap0(x2)
    m = t @ W
    m = jnp.concatenate([jnp.zeros_like(m[:, :1]), m[:, 1:]], axis=-1)
    src = edge_index[0]
    dst = edge_index[1]
    msg = m[src]
    agg = jax.ops.segment_sum(msg, dst, num_segments=N_NODES)
    deg = jax.ops.segment_sum(jnp.ones((N_EDGES,), dtype=jnp.float32), dst, num_segments=N_NODES)
    agg = agg / jnp.clip(deg, 1.0, None)[:, None]
    h = _projx(_expmap0(m + agg))
    # decode: hyperbolic squared distance between (user, item) pairs
    eu = h[pair_idx[:, 0]]
    ev = h[pair_idx[:, 1]]
    return _dist2(eu, ev)

if __name__ == "__main__":
    import jax
    _d = setup_inputs()
    print(jax.jit(kernel)(*tuple(_d.values())))

</pallas_src>

<mosaic_0001>
#map = affine_map<(d0, d1) -> (0, 0)>
#map1 = affine_map<(d0, d1) -> (0, 0, 0, 0)>
#map2 = affine_map<(d0, d1) -> (0, 0, 0)>
module attributes {stable_mosaic.version = 14 : i64} {
  func.func @body(%arg0: i32, %arg1: i32, %arg2: memref<10112x128xf32, #tpu.memory_space<hbm>>, %arg3: memref<64x2x40x128xi32, #tpu.memory_space<hbm>>, %arg4: memref<10112x128xf32, #tpu.memory_space<hbm>>, %arg5: memref<2x10112x128xf32, #tpu.memory_space<hbm>>, %arg6: memref<2x40x128xi32, #tpu.memory_space<vmem>>, %arg7: memref<128x128xf32, #tpu.memory_space<vmem>>, %arg8: memref<128x128xf32, #tpu.memory_space<vmem>>, %arg9: memref<10112x128xf32, #tpu.memory_space<vmem_shared>>, %arg10: memref<!tpu.dma_semaphore, #tpu.memory_space<semaphore_mem>>, %arg11: memref<!tpu.dma_semaphore, #tpu.memory_space<semaphore_mem>>) attributes {dimension_semantics = [#tpu.dimension_semantics<core_parallel>, #tpu.dimension_semantics<subcore_parallel>], iteration_bounds = array<i64: 2, 16>, scalar_prefetch = 0 : i64, scratch_operands = 6 : i64, tpu.core_type = #tpu.core_type<sc_vector_subcore>, window_params = [{transform_indices = #map}, {transform_indices = #map1}, {transform_indices = #map}, {transform_indices = #map2}]} {
    %mul3A = arith.constant 2 : i32
    %mul3A_0 = arith.muli %arg1, %mul3A : i32
    %add3A = arith.addi %mul3A_0, %arg0 : i32
    %mul3A_1 = arith.constant 632 : i32
    %mul3A_2 = arith.muli %arg1, %mul3A_1 : i32
    %mul3A_3 = arith.constant 632 : i32
    %mul3A_4 = arith.muli %arg1, %mul3A_3 : i32
    "tpu.region"() ({
      %run_scoped3A = tpu.sem_alloc : memref<!tpu.dma_semaphore, #tpu.memory_space<semaphore_mem>>
      %dma_start3A = arith.constant 0 : i32
      %dma_start3A_15 = tpu.memref_slice %arg9[%mul3A_4, %dma_start3A] : memref<10112x128xf32, #tpu.memory_space<vmem_shared>> -> memref<632x128xf32, #tpu.memory_space<vmem_shared>>
      %dma_start3A_16 = arith.constant 0 : i32
      %dma_start3A_17 = tpu.memref_slice %arg4[%mul3A_2, %dma_start3A_16] : memref<10112x128xf32, #tpu.memory_space<hbm>> -> memref<632x128xf32, #tpu.memory_space<hbm>>
      tpu.enqueue_dma source(%dma_start3A_17 : memref<632x128xf32, #tpu.memory_space<hbm>>) target(%dma_start3A_15 : memref<632x128xf32, #tpu.memory_space<vmem_shared>>) target_semaphore(%run_scoped3A : memref<!tpu.dma_semaphore, #tpu.memory_space<semaphore_mem>>)
      %dma_wait3A = arith.constant 0 : i32
      %dma_wait3A_18 = tpu.memref_slice %arg9[%mul3A_4, %dma_wait3A] : memref<10112x128xf32, #tpu.memory_space<vmem_shared>> -> memref<632x128xf32, #tpu.memory_space<vmem_shared>>
      %dma_wait3A_19 = arith.constant 0 : i32
      %dma_wait3A_20 = tpu.memref_slice %arg4[%mul3A_2, %dma_wait3A_19] : memref<10112x128xf32, #tpu.memory_space<hbm>> -> memref<632x128xf32, #tpu.memory_space<hbm>>
      tpu.wait_dma2 semaphore(%run_scoped3A : memref<!tpu.dma_semaphore, #tpu.memory_space<semaphore_mem>>) src(%dma_wait3A_20 : memref<632x128xf32, #tpu.memory_space<hbm>>) dst(%dma_wait3A_18 : memref<632x128xf32, #tpu.memory_space<vmem_shared>>)
      tpu.yield
    }) : () -> ()
    %barrier3A = arith.constant 0 : index
    tpu.barrier barrier_id(%barrier3A)
    %scan3A = arith.constant 0 : i32
    %scan3A_5 = arith.constant 0 : i32
    %scan3A_6 = arith.constant 2 : i32
    %scan3A_7 = arith.addi %scan3A_5, %scan3A_6 : i32
    %scan3A_8 = arith.constant 1 : i32
    scf.for %scan3A_15 = %scan3A_5 to %scan3A_7 step %scan3A_8  : i32 {
      %mul3A_16 = arith.constant 2 : i32
      %mul3A_17 = arith.muli %add3A, %mul3A_16 : i32
      %add3A_18 = arith.addi %mul3A_17, %scan3A_15 : i32
      "tpu.region"() ({
        %run_scoped3A = tpu.sem_alloc : memref<!tpu.dma_semaphore, #tpu.memory_space<semaphore_mem>>
        %dma_start3A_40 = arith.constant 0 : i32
        %dma_start3A_41 = arith.constant 0 : i32
        %dma_start3A_42 = arith.constant 0 : i32
        %dma_start3A_43 = tpu.memref_slice %arg3[%add3A_18, %dma_start3A_40, %dma_start3A_41, %dma_start3A_42] : memref<64x2x40x128xi32, #tpu.memory_space<hbm>> -> memref<1x2x40x128xi32, #tpu.memory_space<hbm>>
        %dma_start3A_44 = tpu.memref_squeeze %dma_start3A_43 : memref<1x2x40x128xi32, #tpu.memory_space<hbm>> -> memref<2x40x128xi32, #tpu.memory_space<hbm>>
        %dma_start3A_45 = arith.constant 0 : i32
        %dma_start3A_46 = arith.constant 0 : i32
        %dma_start3A_47 = arith.constant 0 : i32
        %dma_start3A_48 = tpu.memref_slice %arg3[%add3A_18, %dma_start3A_45, %dma_start3A_46, %dma_start3A_47] : memref<64x2x40x128xi32, #tpu.memory_space<hbm>> -> memref<1x2x40x128xi32, #tpu.memory_space<hbm>>
        %dma_start3A_49 = tpu.memref_squeeze %dma_start3A_48 : memref<1x2x40x128xi32, #tpu.memory_space<hbm>> -> memref<2x40x128xi32, #tpu.memory_space<hbm>>
        tpu.enqueue_dma source(%dma_start3A_49 : memref<2x40x128xi32, #tpu.memory_space<hbm>>) target(%arg6 : memref<2x40x128xi32, #tpu.memory_space<vmem>>) target_semaphore(%run_scoped3A : memref<!tpu.dma_semaphore, #tpu.memory_space<semaphore_mem>>)
        %dma_wait3A = arith.constant 0 : i32
        %dma_wait3A_50 = arith.constant 0 : i32
        %dma_wait3A_51 = arith.constant 0 : i32
        %dma_wait3A_52 = tpu.memref_slice %arg3[%add3A_18, %dma_wait3A, %dma_wait3A_50, %dma_wait3A_51] : memref<64x2x40x128xi32, #tpu.memory_space<hbm>> -> memref<1x2x40x128xi32, #tpu.memory_space<hbm>>
        %dma_wait3A_53 = tpu.memref_squeeze %dma_wait3A_52 : memref<1x2x40x128xi32, #tpu.memory_space<hbm>> -> memref<2x40x128xi32, #tpu.memory_space<hbm>>
        %dma_wait3A_54 = arith.constant 0 : i32
        %dma_wait3A_55 = arith.constant 0 : i32
        %dma_wait3A_56 = arith.constant 0 : i32
        %dma_wait3A_57 = tpu.memref_slice %arg3[%add3A_18, %dma_wait3A_54, %dma_wait3A_55, %dma_wait3A_56] : memref<64x2x40x128xi32, #tpu.memory_space<hbm>> -> memref<1x2x40x128xi32, #tpu.memory_space<hbm>>
        %dma_wait3A_58 = tpu.memref_squeeze %dma_wait3A_57 : memref<1x2x40x128xi32, #tpu.memory_space<hbm>> -> memref<2x40x128xi32, #tpu.memory_space<hbm>>
        tpu.wait_dma2 semaphore(%run_scoped3A : memref<!tpu.dma_semaphore, #tpu.memory_space<semaphore_mem>>) src(%dma_wait3A_58 : memref<2x40x128xi32, #tpu.memory_space<hbm>>) dst(%arg6 : memref<2x40x128xi32, #tpu.memory_space<vmem>>)
        tpu.yield
      }) : () -> ()
      %dma_start3A = arith.constant 0 : i32
      %dma_start3A_19 = arith.constant 0 : i32
      %dma_start3A_20 = arith.constant 0 : i32
      %dma_start3A_21 = tpu.memref_slice %arg6[%dma_start3A, %dma_start3A_19, %dma_start3A_20] : memref<2x40x128xi32, #tpu.memory_space<vmem>> -> memref<1x1x128xi32, #tpu.memory_space<vmem>>
      %dma_start3A_22 = tpu.memref_squeeze %dma_start3A_21 : memref<1x1x128xi32, #tpu.memory_space<vmem>> -> memref<128xi32, #tpu.memory_space<vmem>>
      %dma_start3A_23 = arith.constant 0 : i32
      %dma_start3A_24 = arith.constant 0 : i32
      %dma_start3A_25 = tpu.memref_slice %arg2[%dma_start3A_23, %dma_start3A_24] : memref<10112x128xf32, #tpu.memory_space<hbm>> -> memref<10112x128xf32, #tpu.memory_space<hbm>>
      tpu.enqueue_indirect_dma source(%dma_start3A_25 : memref<10112x128xf32, #tpu.memory_space<hbm>>) target(%arg7 : memref<128x128xf32, #tpu.memory_space<vmem>>) offsets(%dma_start3A_22 : memref<128xi32, #tpu.memory_space<vmem>>) semaphore(%arg10 : memref<!tpu.dma_semaphore, #tpu.memory_space<semaphore_mem>>)
      %dma_start3A_26 = arith.constant 0 : i32
      %dma_start3A_27 = arith.constant 1 : i32
      %dma_start3A_28 = arith.constant 0 : i32
      %dma_start3A_29 = tpu.memref_slice %arg6[%dma_start3A_26, %dma_start3A_27, %dma_start3A_28] : memref<2x40x128xi32, #tpu.memory_space<vmem>> -> memref<1x1x128xi32, #tpu.memory_space<vmem>>
      %dma_start3A_30 = tpu.memref_squeeze %dma_start3A_29 : memref<1x1x128xi32, #tpu.memory_space<vmem>> -> memref<128xi32, #tpu.memory_space<vmem>>
      %dma_start3A_31 = arith.constant 0 : i32
      %dma_start3A_32 = arith.constant 0 : i32
      %dma_start3A_33 = tpu.memref_slice %arg2[%dma_start3A_31, %dma_start3A_32] : memref<10112x128xf32, #tpu.memory_space<hbm>> -> memref<10112x128xf32, #tpu.memory_space<hbm>>
      tpu.enqueue_indirect_dma source(%dma_start3A_33 : memref<10112x128xf32, #tpu.memory_space<hbm>>) target(%arg8 : memref<128x128xf32, #tpu.memory_space<vmem>>) offsets(%dma_start3A_30 : memref<128xi32, #tpu.memory_space<vmem>>) semaphore(%arg11 : memref<!tpu.dma_semaphore, #tpu.memory_space<semaphore_mem>>)
      %scan3A_34 = arith.constant 0 : i32
      %scan3A_35 = arith.constant 0 : i32
      %scan3A_36 = arith.constant 20 : i32
      %scan3A_37 = arith.addi %scan3A_35, %scan3A_36 : i32
      %scan3A_38 = arith.constant 1 : i32
      scf.for %scan3A_40 = %scan3A_35 to %scan3A_37 step %scan3A_38  : i32 {
        %mul3A_41 = arith.constant 2 : i32
        %mul3A_42 = arith.muli %mul3A_41, %scan3A_40 : i32
        %add3A_43 = arith.constant 0 : i32
        %add3A_44 = arith.addi %mul3A_42, %add3A_43 : i32
        %dma_wait3A = arith.constant 0 : i32
        %dma_wait3A_45 = arith.constant 0 : i32
        %dma_wait3A_46 = tpu.memref_slice %arg6[%dma_wait3A, %add3A_44, %dma_wait3A_45] : memref<2x40x128xi32, #tpu.memory_space<vmem>> -> memref<1x1x128xi32, #tpu.memory_space<vmem>>
        %dma_wait3A_47 = tpu.memref_squeeze %dma_wait3A_46 : memref<1x1x128xi32, #tpu.memory_space<vmem>> -> memref<128xi32, #tpu.memory_space<vmem>>
        %dma_wait3A_48 = arith.constant 0 : i32
        %dma_wait3A_49 = arith.constant 0 : i32
        %dma_wait3A_50 = tpu.memref_slice %arg2[%dma_wait3A_48, %dma_wait3A_49] : memref<10112x128xf32, #tpu.memory_space<hbm>> -> memref<10112x128xf32, #tpu.memory_space<hbm>>
        tpu.wait_indirect_dma semaphore(%arg10 : memref<!tpu.dma_semaphore, #tpu.memory_space<semaphore_mem>>) src(%dma_wait3A_50 : memref<10112x128xf32, #tpu.memory_space<hbm>>) dst(%arg7 : memref<128x128xf32, #tpu.memory_space<vmem>>)
        %add3A_51 = arith.constant 0 : i32
        %add3A_52 = arith.addi %mul3A_42, %add3A_51 : i32
        %run_scoped3A = arith.constant 1 : i32
        "tpu.region"() ({
          %run_scoped3A_80 = tpu.sem_alloc : memref<!tpu.dma_semaphore, #tpu.memory_space<semaphore_mem>>
          %dma_start3A_81 = arith.constant 0 : i32
          %dma_start3A_82 = tpu.memref_slice %arg6[%run_scoped3A, %add3A_52, %dma_start3A_81] : memref<2x40x128xi32, #tpu.memory_space<vmem>> -> memref<1x1x128xi32, #tpu.memory_space<vmem>>
          %dma_start3A_83 = tpu.memref_squeeze %dma_start3A_82 : memref<1x1x128xi32, #tpu.memory_space<vmem>> -> memref<128xi32, #tpu.memory_space<vmem>>
          %dma_start3A_84 = arith.constant 0 : i32
          %dma_start3A_85 = arith.constant 0 : i32
          %dma_start3A_86 = tpu.memref_slice %arg9[%dma_start3A_84, %dma_start3A_85] : memref<10112x128xf32, #tpu.memory_space<vmem_shared>> -> memref<10112x128xf32, #tpu.memory_space<vmem_shared>>
          tpu.enqueue_indirect_dma source(%arg7 : memref<128x128xf32, #tpu.memory_space<vmem>>) target(%dma_start3A_86 : memref<10112x128xf32, #tpu.memory_space<vmem_shared>>) offsets(%dma_start3A_83 : memref<128xi32, #tpu.memory_space<vmem>>) semaphore(%run_scoped3A_80 : memref<!tpu.dma_semaphore, #tpu.memory_space<semaphore_mem>>) {add = true}
          %dma_wait3A_87 = arith.constant 0 : i32
          %dma_wait3A_88 = tpu.memref_slice %arg6[%run_scoped3A, %add3A_52, %dma_wait3A_87] : memref<2x40x128xi32, #tpu.memory_space<vmem>> -> memref<1x1x128xi32, #tpu.memory_space<vmem>>
          %dma_wait3A_89 = tpu.memref_squeeze %dma_wait3A_88 : memref<1x1x128xi32, #tpu.memory_space<vmem>> -> memref<128xi32, #tpu.memory_space<vmem>>
          %dma_wait3A_90 = arith.constant 0 : i32
          %dma_wait3A_91 = arith.constant 0 : i32
          %dma_wait3A_92 = tpu.memref_slice %arg9[%dma_wait3A_90, %dma_wait3A_91] : memref<10112x128xf32, #tpu.memory_space<vmem_shared>> -> memref<10112x128xf32, #tpu.memory_space<vmem_shared>>
          tpu.wait_indirect_dma semaphore(%run_scoped3A_80 : memref<!tpu.dma_semaphore, #tpu.memory_space<semaphore_mem>>) src(%arg7 : memref<128x128xf32, #tpu.memory_space<vmem>>) dst(%dma_wait3A_92 : memref<10112x128xf32, #tpu.memory_space<vmem_shared>>)
          tpu.yield
        }) : () -> ()
        %add3A_53 = arith.constant 0 : i32
        %add3A_54 = arith.addi %mul3A_42, %add3A_53 : i32
        %add3A_55 = arith.constant 2 : i32
        %add3A_56 = arith.addi %add3A_54, %add3A_55 : i32
        %lt3A = arith.constant 40 : i32
        %lt3A_57 = arith.cmpi slt, %add3A_56, %lt3A : i32
        %convert_element_type3A = arith.extui %lt3A_57 : i1 to i32
        %cond3A = arith.constant 0 : i32
        %cond3A_58 = arith.cmpi ne, %convert_element_type3A, %cond3A : i32
        scf.if %cond3A_58 {
          %add3A_80 = arith.constant 0 : i32
          %add3A_81 = arith.addi %mul3A_42, %add3A_80 : i32
          %add3A_82 = arith.constant 2 : i32
          %add3A_83 = arith.addi %add3A_81, %add3A_82 : i32
          %dma_start3A_84 = arith.constant 0 : i32
          %dma_start3A_85 = arith.constant 0 : i32
          %dma_start3A_86 = tpu.memref_slice %arg6[%dma_start3A_84, %add3A_83, %dma_start3A_85] : memref<2x40x128xi32, #tpu.memory_space<vmem>> -> memref<1x1x128xi32, #tpu.memory_space<vmem>>
          %dma_start3A_87 = tpu.memref_squeeze %dma_start3A_86 : memref<1x1x128xi32, #tpu.memory_space<vmem>> -> memref<128xi32, #tpu.memory_space<vmem>>
          %dma_start3A_88 = arith.constant 0 : i32
          %dma_start3A_89 = arith.constant 0 : i32
          %dma_start3A_90 = tpu.memref_slice %arg2[%dma_start3A_88, %dma_start3A_89] : memref<10112x128xf32, #tpu.memory_space<hbm>> -> memref<10112x128xf32, #tpu.memory_space<hbm>>
          tpu.enqueue_indirect_dma source(%dma_start3A_90 : memref<10112x128xf32, #tpu.memory_space<hbm>>) target(%arg7 : memref<128x128xf32, #tpu.memory_space<vmem>>) offsets(%dma_start3A_87 : memref<128xi32, #tpu.memory_space<vmem>>) semaphore(%arg10 : memref<!tpu.dma_semaphore, #tpu.memory_space<semaphore_mem>>)
        } else {
        }
        %add3A_59 = arith.constant 1 : i32
        %add3A_60 = arith.addi %mul3A_42, %add3A_59 : i32
        %dma_wait3A_61 = arith.constant 0 : i32
        %dma_wait3A_62 = arith.constant 0 : i32
        %dma_wait3A_63 = tpu.memref_slice %arg6[%dma_wait3A_61, %add3A_60, %dma_wait3A_62] : memref<2x40x128xi32, #tpu.memory_space<vmem>> -> memref<1x1x128xi32, #tpu.memory_space<vmem>>
        %dma_wait3A_64 = tpu.memref_squeeze %dma_wait3A_63 : memref<1x1x128xi32, #tpu.memory_space<vmem>> -> memref<128xi32, #tpu.memory_space<vmem>>
        %dma_wait3A_65 = arith.constant 0 : i32
        %dma_wait3A_66 = arith.constant 0 : i32
        %dma_wait3A_67 = tpu.memref_slice %arg2[%dma_wait3A_65, %dma_wait3A_66] : memref<10112x128xf32, #tpu.memory_space<hbm>> -> memref<10112x128xf32, #tpu.memory_space<hbm>>
        tpu.wait_indirect_dma semaphore(%arg11 : memref<!tpu.dma_semaphore, #tpu.memory_space<semaphore_mem>>) src(%dma_wait3A_67 : memref<10112x128xf32, #tpu.memory_space<hbm>>) dst(%arg8 : memref<128x128xf32, #tpu.memory_space<vmem>>)
        %add3A_68 = arith.constant 1 : i32
        %add3A_69 = arith.addi %mul3A_42, %add3A_68 : i32
        %run_scoped3A_70 = arith.constant 1 : i32
        "tpu.region"() ({
          %run_scoped3A_80 = tpu.sem_alloc : memref<!tpu.dma_semaphore, #tpu.memory_space<semaphore_mem>>
          %dma_start3A_81 = arith.constant 0 : i32
          %dma_start3A_82 = tpu.memref_slice %arg6[%run_scoped3A_70, %add3A_69, %dma_start3A_81] : memref<2x40x128xi32, #tpu.memory_space<vmem>> -> memref<1x1x128xi32, #tpu.memory_space<vmem>>
          %dma_start3A_83 = tpu.memref_squeeze %dma_start3A_82 : memref<1x1x128xi32, #tpu.memory_space<vmem>> -> memref<128xi32, #tpu.memory_space<vmem>>
          %dma_start3A_84 = arith.constant 0 : i32
          %dma_start3A_85 = arith.constant 0 : i32
          %dma_start3A_86 = tpu.memref_slice %arg9[%dma_start3A_84, %dma_start3A_85] : memref<10112x128xf32, #tpu.memory_space<vmem_shared>> -> memref<10112x128xf32, #tpu.memory_space<vmem_shared>>
          tpu.enqueue_indirect_dma source(%arg8 : memref<128x128xf32, #tpu.memory_space<vmem>>) target(%dma_start3A_86 : memref<10112x128xf32, #tpu.memory_space<vmem_shared>>) offsets(%dma_start3A_83 : memref<128xi32, #tpu.memory_space<vmem>>) semaphore(%run_scoped3A_80 : memref<!tpu.dma_semaphore, #tpu.memory_space<semaphore_mem>>) {add = true}
          %dma_wait3A_87 = arith.constant 0 : i32
          %dma_wait3A_88 = tpu.memref_slice %arg6[%run_scoped3A_70, %add3A_69, %dma_wait3A_87] : memref<2x40x128xi32, #tpu.memory_space<vmem>> -> memref<1x1x128xi32, #tpu.memory_space<vmem>>
          %dma_wait3A_89 = tpu.memref_squeeze %dma_wait3A_88 : memref<1x1x128xi32, #tpu.memory_space<vmem>> -> memref<128xi32, #tpu.memory_space<vmem>>
          %dma_wait3A_90 = arith.constant 0 : i32
          %dma_wait3A_91 = arith.constant 0 : i32
          %dma_wait3A_92 = tpu.memref_slice %arg9[%dma_wait3A_90, %dma_wait3A_91] : memref<10112x128xf32, #tpu.memory_space<vmem_shared>> -> memref<10112x128xf32, #tpu.memory_space<vmem_shared>>
          tpu.wait_indirect_dma semaphore(%run_scoped3A_80 : memref<!tpu.dma_semaphore, #tpu.memory_space<semaphore_mem>>) src(%arg8 : memref<128x128xf32, #tpu.memory_space<vmem>>) dst(%dma_wait3A_92 : memref<10112x128xf32, #tpu.memory_space<vmem_shared>>)
          tpu.yield
        }) : () -> ()
        %add3A_71 = arith.constant 1 : i32
        %add3A_72 = arith.addi %mul3A_42, %add3A_71 : i32
        %add3A_73 = arith.constant 2 : i32
        %add3A_74 = arith.addi %add3A_72, %add3A_73 : i32
        %lt3A_75 = arith.constant 40 : i32
        %lt3A_76 = arith.cmpi slt, %add3A_74, %lt3A_75 : i32
        %convert_element_type3A_77 = arith.extui %lt3A_76 : i1 to i32
        %cond3A_78 = arith.constant 0 : i32
        %cond3A_79 = arith.cmpi ne, %convert_element_type3A_77, %cond3A_78 : i32
        scf.if %cond3A_79 {
          %add3A_80 = arith.constant 1 : i32
          %add3A_81 = arith.addi %mul3A_42, %add3A_80 : i32
          %add3A_82 = arith.constant 2 : i32
          %add3A_83 = arith.addi %add3A_81, %add3A_82 : i32
          %dma_start3A_84 = arith.constant 0 : i32
          %dma_start3A_85 = arith.constant 0 : i32
          %dma_start3A_86 = tpu.memref_slice %arg6[%dma_start3A_84, %add3A_83, %dma_start3A_85] : memref<2x40x128xi32, #tpu.memory_space<vmem>> -> memref<1x1x128xi32, #tpu.memory_space<vmem>>
          %dma_start3A_87 = tpu.memref_squeeze %dma_start3A_86 : memref<1x1x128xi32, #tpu.memory_space<vmem>> -> memref<128xi32, #tpu.memory_space<vmem>>
          %dma_start3A_88 = arith.constant 0 : i32
          %dma_start3A_89 = arith.constant 0 : i32
          %dma_start3A_90 = tpu.memref_slice %arg2[%dma_start3A_88, %dma_start3A_89] : memref<10112x128xf32, #tpu.memory_space<hbm>> -> memref<10112x128xf32, #tpu.memory_space<hbm>>
          tpu.enqueue_indirect_dma source(%dma_start3A_90 : memref<10112x128xf32, #tpu.memory_space<hbm>>) target(%arg8 : memref<128x128xf32, #tpu.memory_space<vmem>>) offsets(%dma_start3A_87 : memref<128xi32, #tpu.memory_space<vmem>>) semaphore(%arg11 : memref<!tpu.dma_semaphore, #tpu.memory_space<semaphore_mem>>)
        } else {
        }
      }
      %scan3A_39 = arith.constant 20 : i32
    }
    %scan3A_9 = arith.constant 2 : i32
    %barrier3A_10 = arith.constant 0 : index
    tpu.barrier barrier_id(%barrier3A_10)
    %mul3A_11 = arith.constant 632 : i32
    %mul3A_12 = arith.muli %arg1, %mul3A_11 : i32
    %mul3A_13 = arith.constant 632 : i32
    %mul3A_14 = arith.muli %arg1, %mul3A_13 : i32
    "tpu.region"() ({
      %run_scoped3A = tpu.sem_alloc : memref<!tpu.dma_semaphore, #tpu.memory_space<semaphore_mem>>
      %dma_start3A = arith.constant 0 : i32
      %dma_start3A_15 = arith.constant 0 : i32
      %dma_start3A_16 = tpu.memref_slice %arg5[%arg0, %dma_start3A, %dma_start3A_15] : memref<2x10112x128xf32, #tpu.memory_space<hbm>> -> memref<1x10112x128xf32, #tpu.memory_space<hbm>>
      %dma_start3A_17 = tpu.memref_squeeze %dma_start3A_16 : memref<1x10112x128xf32, #tpu.memory_space<hbm>> -> memref<10112x128xf32, #tpu.memory_space<hbm>>
      %dma_start3A_18 = arith.constant 0 : i32
      %dma_start3A_19 = tpu.memref_slice %dma_start3A_17[%mul3A_14, %dma_start3A_18] : memref<10112x128xf32, #tpu.memory_space<hbm>> -> memref<632x128xf32, #tpu.memory_space<hbm>>
      %dma_start3A_20 = arith.constant 0 : i32
      %dma_start3A_21 = tpu.memref_slice %arg9[%mul3A_12, %dma_start3A_20] : memref<10112x128xf32, #tpu.memory_space<vmem_shared>> -> memref<632x128xf32, #tpu.memory_space<vmem_shared>>
      tpu.enqueue_dma source(%dma_start3A_21 : memref<632x128xf32, #tpu.memory_space<vmem_shared>>) target(%dma_start3A_19 : memref<632x128xf32, #tpu.memory_space<hbm>>) target_semaphore(%run_scoped3A : memref<!tpu.dma_semaphore, #tpu.memory_space<semaphore_mem>>)
      %dma_wait3A = arith.constant 0 : i32
      %dma_wait3A_22 = arith.constant 0 : i32
      %dma_wait3A_23 = tpu.memref_slice %arg5[%arg0, %dma_wait3A, %dma_wait3A_22] : memref<2x10112x128xf32, #tpu.memory_space<hbm>> -> memref<1x10112x128xf32, #tpu.memory_space<hbm>>
      %dma_wait3A_24 = tpu.memref_squeeze %dma_wait3A_23 : memref<1x10112x128xf32, #tpu.memory_space<hbm>> -> memref<10112x128xf32, #tpu.memory_space<hbm>>
      %dma_wait3A_25 = arith.constant 0 : i32
      %dma_wait3A_26 = tpu.memref_slice %dma_wait3A_24[%mul3A_14, %dma_wait3A_25] : memref<10112x128xf32, #tpu.memory_space<hbm>> -> memref<632x128xf32, #tpu.memory_space<hbm>>
      %dma_wait3A_27 = arith.constant 0 : i32
      %dma_wait3A_28 = tpu.memref_slice %arg9[%mul3A_12, %dma_wait3A_27] : memref<10112x128xf32, #tpu.memory_space<vmem_shared>> -> memref<632x128xf32, #tpu.memory_space<vmem_shared>>
      tpu.wait_dma2 semaphore(%run_scoped3A : memref<!tpu.dma_semaphore, #tpu.memory_space<semaphore_mem>>) src(%dma_wait3A_28 : memref<632x128xf32, #tpu.memory_space<vmem_shared>>) dst(%dma_wait3A_26 : memref<632x128xf32, #tpu.memory_space<hbm>>)
      tpu.yield
    }) : () -> ()
    return
  }
}

#map = affine_map<(d0, d1) -> (0, 0)>
#map1 = affine_map<(d0, d1) -> (0)>
#map2 = affine_map<(d0, d1) -> (0, 0, 0)>
module attributes {stable_mosaic.version = 14 : i64} {
  func.func @body(%arg0: i32, %arg1: i32, %arg2: memref<10112x128xf32, #tpu.memory_space<hbm>>, %arg3: memref<4096xi32, #tpu.memory_space<hbm>>, %arg4: memref<4096xi32, #tpu.memory_space<hbm>>, %arg5: memref<2x4096x128xf32, #tpu.memory_space<hbm>>, %arg6: memref<128xi32, #tpu.memory_space<vmem>>, %arg7: memref<128x128xf32, #tpu.memory_space<vmem>>, %arg8: memref<!tpu.dma_semaphore, #tpu.memory_space<semaphore_mem>>) attributes {dimension_semantics = [#tpu.dimension_semantics<core_parallel>, #tpu.dimension_semantics<subcore_parallel>], iteration_bounds = array<i64: 2, 16>, scalar_prefetch = 0 : i64, scratch_operands = 3 : i64, tpu.core_type = #tpu.core_type<sc_vector_subcore>, window_params = [{transform_indices = #map}, {transform_indices = #map1}, {transform_indices = #map1}, {transform_indices = #map2}]} {
    %mul3A = arith.constant 2 : i32
    %mul3A_0 = arith.muli %arg1, %mul3A : i32
    %add3A = arith.addi %mul3A_0, %arg0 : i32
    %mul3A_1 = arith.constant 128 : i32
    %mul3A_2 = arith.muli %add3A, %mul3A_1 : i32
    "tpu.region"() ({
      %run_scoped3A_14 = tpu.sem_alloc : memref<!tpu.dma_semaphore, #tpu.memory_space<semaphore_mem>>
      %dma_start3A_15 = tpu.memref_slice %arg3[%mul3A_2] : memref<4096xi32, #tpu.memory_space<hbm>> -> memref<128xi32, #tpu.memory_space<hbm>>
      %dma_start3A_16 = tpu.memref_slice %arg3[%mul3A_2] : memref<4096xi32, #tpu.memory_space<hbm>> -> memref<128xi32, #tpu.memory_space<hbm>>
      tpu.enqueue_dma source(%dma_start3A_16 : memref<128xi32, #tpu.memory_space<hbm>>) target(%arg6 : memref<128xi32, #tpu.memory_space<vmem>>) target_semaphore(%run_scoped3A_14 : memref<!tpu.dma_semaphore, #tpu.memory_space<semaphore_mem>>)
      %dma_wait3A_17 = tpu.memref_slice %arg3[%mul3A_2] : memref<4096xi32, #tpu.memory_space<hbm>> -> memref<128xi32, #tpu.memory_space<hbm>>
      %dma_wait3A_18 = tpu.memref_slice %arg3[%mul3A_2] : memref<4096xi32, #tpu.memory_space<hbm>> -> memref<128xi32, #tpu.memory_space<hbm>>
      tpu.wait_dma2 semaphore(%run_scoped3A_14 : memref<!tpu.dma_semaphore, #tpu.memory_space<semaphore_mem>>) src(%dma_wait3A_18 : memref<128xi32, #tpu.memory_space<hbm>>) dst(%arg6 : memref<128xi32, #tpu.memory_space<vmem>>)
      tpu.yield
    }) : () -> ()
    %dma_start3A = arith.constant 0 : i32
    %dma_start3A_3 = arith.constant 0 : i32
    %dma_start3A_4 = tpu.memref_slice %arg2[%dma_start3A, %dma_start3A_3] : memref<10112x128xf32, #tpu.memory_space<hbm>> -> memref<10112x128xf32, #tpu.memory_space<hbm>>
    tpu.enqueue_indirect_dma source(%dma_start3A_4 : memref<10112x128xf32, #tpu.memory_space<hbm>>) target(%arg7 : memref<128x128xf32, #tpu.memory_space<vmem>>) offsets(%arg6 : memref<128xi32, #tpu.memory_space<vmem>>) semaphore(%arg8 : memref<!tpu.dma_semaphore, #tpu.memory_space<semaphore_mem>>)
    %dma_wait3A = arith.constant 0 : i32
    %dma_wait3A_5 = arith.constant 0 : i32
    %dma_wait3A_6 = tpu.memref_slice %arg2[%dma_wait3A, %dma_wait3A_5] : memref<10112x128xf32, #tpu.memory_space<hbm>> -> memref<10112x128xf32, #tpu.memory_space<hbm>>
    tpu.wait_indirect_dma semaphore(%arg8 : memref<!tpu.dma_semaphore, #tpu.memory_space<semaphore_mem>>) src(%dma_wait3A_6 : memref<10112x128xf32, #tpu.memory_space<hbm>>) dst(%arg7 : memref<128x128xf32, #tpu.memory_space<vmem>>)
    %run_scoped3A = arith.constant 0 : i32
    "tpu.region"() ({
      %run_scoped3A_14 = tpu.sem_alloc : memref<!tpu.dma_semaphore, #tpu.memory_space<semaphore_mem>>
      %dma_start3A_15 = arith.constant 0 : i32
      %dma_start3A_16 = arith.constant 0 : i32
      %dma_start3A_17 = tpu.memref_slice %arg5[%run_scoped3A, %dma_start3A_15, %dma_start3A_16] : memref<2x4096x128xf32, #tpu.memory_space<hbm>> -> memref<1x4096x128xf32, #tpu.memory_space<hbm>>
      %dma_start3A_18 = tpu.memref_squeeze %dma_start3A_17 : memref<1x4096x128xf32, #tpu.memory_space<hbm>> -> memref<4096x128xf32, #tpu.memory_space<hbm>>
      %dma_start3A_19 = arith.constant 0 : i32
      %dma_start3A_20 = tpu.memref_slice %dma_start3A_18[%mul3A_2, %dma_start3A_19] : memref<4096x128xf32, #tpu.memory_space<hbm>> -> memref<128x128xf32, #tpu.memory_space<hbm>>
      %dma_start3A_21 = arith.constant 0 : i32
      %dma_start3A_22 = arith.constant 0 : i32
      %dma_start3A_23 = tpu.memref_slice %arg5[%run_scoped3A, %dma_start3A_21, %dma_start3A_22] : memref<2x4096x128xf32, #tpu.memory_space<hbm>> -> memref<1x4096x128xf32, #tpu.memory_space<hbm>>
      %dma_start3A_24 = tpu.memref_squeeze %dma_start3A_23 : memref<1x4096x128xf32, #tpu.memory_space<hbm>> -> memref<4096x128xf32, #tpu.memory_space<hbm>>
      %dma_start3A_25 = arith.constant 0 : i32
      %dma_start3A_26 = tpu.memref_slice %dma_start3A_24[%mul3A_2, %dma_start3A_25] : memref<4096x128xf32, #tpu.memory_space<hbm>> -> memref<128x128xf32, #tpu.memory_space<hbm>>
      tpu.enqueue_dma source(%arg7 : memref<128x128xf32, #tpu.memory_space<vmem>>) target(%dma_start3A_26 : memref<128x128xf32, #tpu.memory_space<hbm>>) target_semaphore(%run_scoped3A_14 : memref<!tpu.dma_semaphore, #tpu.memory_space<semaphore_mem>>)
      %dma_wait3A_27 = arith.constant 0 : i32
      %dma_wait3A_28 = arith.constant 0 : i32
      %dma_wait3A_29 = tpu.memref_slice %arg5[%run_scoped3A, %dma_wait3A_27, %dma_wait3A_28] : memref<2x4096x128xf32, #tpu.memory_space<hbm>> -> memref<1x4096x128xf32, #tpu.memory_space<hbm>>
      %dma_wait3A_30 = tpu.memref_squeeze %dma_wait3A_29 : memref<1x4096x128xf32, #tpu.memory_space<hbm>> -> memref<4096x128xf32, #tpu.memory_space<hbm>>
      %dma_wait3A_31 = arith.constant 0 : i32
      %dma_wait3A_32 = tpu.memref_slice %dma_wait3A_30[%mul3A_2, %dma_wait3A_31] : memref<4096x128xf32, #tpu.memory_space<hbm>> -> memref<128x128xf32, #tpu.memory_space<hbm>>
      %dma_wait3A_33 = arith.constant 0 : i32
      %dma_wait3A_34 = arith.constant 0 : i32
      %dma_wait3A_35 = tpu.memref_slice %arg5[%run_scoped3A, %dma_wait3A_33, %dma_wait3A_34] : memref<2x4096x128xf32, #tpu.memory_space<hbm>> -> memref<1x4096x128xf32, #tpu.memory_space<hbm>>
      %dma_wait3A_36 = tpu.memref_squeeze %dma_wait3A_35 : memref<1x4096x128xf32, #tpu.memory_space<hbm>> -> memref<4096x128xf32, #tpu.memory_space<hbm>>
      %dma_wait3A_37 = arith.constant 0 : i32
      %dma_wait3A_38 = tpu.memref_slice %dma_wait3A_36[%mul3A_2, %dma_wait3A_37] : memref<4096x128xf32, #tpu.memory_space<hbm>> -> memref<128x128xf32, #tpu.memory_space<hbm>>
      tpu.wait_dma2 semaphore(%run_scoped3A_14 : memref<!tpu.dma_semaphore, #tpu.memory_space<semaphore_mem>>) src(%arg7 : memref<128x128xf32, #tpu.memory_space<vmem>>) dst(%dma_wait3A_38 : memref<128x128xf32, #tpu.memory_space<hbm>>)
      tpu.yield
    }) : () -> ()
    "tpu.region"() ({
      %run_scoped3A_14 = tpu.sem_alloc : memref<!tpu.dma_semaphore, #tpu.memory_space<semaphore_mem>>
      %dma_start3A_15 = tpu.memref_slice %arg4[%mul3A_2] : memref<4096xi32, #tpu.memory_space<hbm>> -> memref<128xi32, #tpu.memory_space<hbm>>
      %dma_start3A_16 = tpu.memref_slice %arg4[%mul3A_2] : memref<4096xi32, #tpu.memory_space<hbm>> -> memref<128xi32, #tpu.memory_space<hbm>>
      tpu.enqueue_dma source(%dma_start3A_16 : memref<128xi32, #tpu.memory_space<hbm>>) target(%arg6 : memref<128xi32, #tpu.memory_space<vmem>>) target_semaphore(%run_scoped3A_14 : memref<!tpu.dma_semaphore, #tpu.memory_space<semaphore_mem>>)
      %dma_wait3A_17 = tpu.memref_slice %arg4[%mul3A_2] : memref<4096xi32, #tpu.memory_space<hbm>> -> memref<128xi32, #tpu.memory_space<hbm>>
      %dma_wait3A_18 = tpu.memref_slice %arg4[%mul3A_2] : memref<4096xi32, #tpu.memory_space<hbm>> -> memref<128xi32, #tpu.memory_space<hbm>>
      tpu.wait_dma2 semaphore(%run_scoped3A_14 : memref<!tpu.dma_semaphore, #tpu.memory_space<semaphore_mem>>) src(%dma_wait3A_18 : memref<128xi32, #tpu.memory_space<hbm>>) dst(%arg6 : memref<128xi32, #tpu.memory_space<vmem>>)
      tpu.yield
    }) : () -> ()
    %dma_start3A_7 = arith.constant 0 : i32
    %dma_start3A_8 = arith.constant 0 : i32
    %dma_start3A_9 = tpu.memref_slice %arg2[%dma_start3A_7, %dma_start3A_8] : memref<10112x128xf32, #tpu.memory_space<hbm>> -> memref<10112x128xf32, #tpu.memory_space<hbm>>
    tpu.enqueue_indirect_dma source(%dma_start3A_9 : memref<10112x128xf32, #tpu.memory_space<hbm>>) target(%arg7 : memref<128x128xf32, #tpu.memory_space<vmem>>) offsets(%arg6 : memref<128xi32, #tpu.memory_space<vmem>>) semaphore(%arg8 : memref<!tpu.dma_semaphore, #tpu.memory_space<semaphore_mem>>)
    %dma_wait3A_10 = arith.constant 0 : i32
    %dma_wait3A_11 = arith.constant 0 : i32
    %dma_wait3A_12 = tpu.memref_slice %arg2[%dma_wait3A_10, %dma_wait3A_11] : memref<10112x128xf32, #tpu.memory_space<hbm>> -> memref<10112x128xf32, #tpu.memory_space<hbm>>
    tpu.wait_indirect_dma semaphore(%arg8 : memref<!tpu.dma_semaphore, #tpu.memory_space<semaphore_mem>>) src(%dma_wait3A_12 : memref<10112x128xf32, #tpu.memory_space<hbm>>) dst(%arg7 : memref<128x128xf32, #tpu.memory_space<vmem>>)
    %run_scoped3A_13 = arith.constant 1 : i32
    "tpu.region"() ({
      %run_scoped3A_14 = tpu.sem_alloc : memref<!tpu.dma_semaphore, #tpu.memory_space<semaphore_mem>>
      %dma_start3A_15 = arith.constant 0 : i32
      %dma_start3A_16 = arith.constant 0 : i32
      %dma_start3A_17 = tpu.memref_slice %arg5[%run_scoped3A_13, %dma_start3A_15, %dma_start3A_16] : memref<2x4096x128xf32, #tpu.memory_space<hbm>> -> memref<1x4096x128xf32, #tpu.memory_space<hbm>>
      %dma_start3A_18 = tpu.memref_squeeze %dma_start3A_17 : memref<1x4096x128xf32, #tpu.memory_space<hbm>> -> memref<4096x128xf32, #tpu.memory_space<hbm>>
      %dma_start3A_19 = arith.constant 0 : i32
      %dma_start3A_20 = tpu.memref_slice %dma_start3A_18[%mul3A_2, %dma_start3A_19] : memref<4096x128xf32, #tpu.memory_space<hbm>> -> memref<128x128xf32, #tpu.memory_space<hbm>>
      %dma_start3A_21 = arith.constant 0 : i32
      %dma_start3A_22 = arith.constant 0 : i32
      %dma_start3A_23 = tpu.memref_slice %arg5[%run_scoped3A_13, %dma_start3A_21, %dma_start3A_22] : memref<2x4096x128xf32, #tpu.memory_space<hbm>> -> memref<1x4096x128xf32, #tpu.memory_space<hbm>>
      %dma_start3A_24 = tpu.memref_squeeze %dma_start3A_23 : memref<1x4096x128xf32, #tpu.memory_space<hbm>> -> memref<4096x128xf32, #tpu.memory_space<hbm>>
      %dma_start3A_25 = arith.constant 0 : i32
      %dma_start3A_26 = tpu.memref_slice %dma_start3A_24[%mul3A_2, %dma_start3A_25] : memref<4096x128xf32, #tpu.memory_space<hbm>> -> memref<128x128xf32, #tpu.memory_space<hbm>>
      tpu.enqueue_dma source(%arg7 : memref<128x128xf32, #tpu.memory_space<vmem>>) target(%dma_start3A_26 : memref<128x128xf32, #tpu.memory_space<hbm>>) target_semaphore(%run_scoped3A_14 : memref<!tpu.dma_semaphore, #tpu.memory_space<semaphore_mem>>)
      %dma_wait3A_27 = arith.constant 0 : i32
      %dma_wait3A_28 = arith.constant 0 : i32
      %dma_wait3A_29 = tpu.memref_slice %arg5[%run_scoped3A_13, %dma_wait3A_27, %dma_wait3A_28] : memref<2x4096x128xf32, #tpu.memory_space<hbm>> -> memref<1x4096x128xf32, #tpu.memory_space<hbm>>
      %dma_wait3A_30 = tpu.memref_squeeze %dma_wait3A_29 : memref<1x4096x128xf32, #tpu.memory_space<hbm>> -> memref<4096x128xf32, #tpu.memory_space<hbm>>
      %dma_wait3A_31 = arith.constant 0 : i32
      %dma_wait3A_32 = tpu.memref_slice %dma_wait3A_30[%mul3A_2, %dma_wait3A_31] : memref<4096x128xf32, #tpu.memory_space<hbm>> -> memref<128x128xf32, #tpu.memory_space<hbm>>
      %dma_wait3A_33 = arith.constant 0 : i32
      %dma_wait3A_34 = arith.constant 0 : i32
      %dma_wait3A_35 = tpu.memref_slice %arg5[%run_scoped3A_13, %dma_wait3A_33, %dma_wait3A_34] : memref<2x4096x128xf32, #tpu.memory_space<hbm>> -> memref<1x4096x128xf32, #tpu.memory_space<hbm>>
      %dma_wait3A_36 = tpu.memref_squeeze %dma_wait3A_35 : memref<1x4096x128xf32, #tpu.memory_space<hbm>> -> memref<4096x128xf32, #tpu.memory_space<hbm>>
      %dma_wait3A_37 = arith.constant 0 : i32
      %dma_wait3A_38 = tpu.memref_slice %dma_wait3A_36[%mul3A_2, %dma_wait3A_37] : memref<4096x128xf32, #tpu.memory_space<hbm>> -> memref<128x128xf32, #tpu.memory_space<hbm>>
      tpu.wait_dma2 semaphore(%run_scoped3A_14 : memref<!tpu.dma_semaphore, #tpu.memory_space<semaphore_mem>>) src(%arg7 : memref<128x128xf32, #tpu.memory_space<vmem>>) dst(%dma_wait3A_38 : memref<128x128xf32, #tpu.memory_space<hbm>>)
      tpu.yield
    }) : () -> ()
    return
  }
}

module attributes {stable_mosaic.version = 14 : i64} {
  func.func @_encode_body(%arg0: memref<10112x128xf32, #tpu.memory_space<vmem>>, %arg1: memref<128x128xf32, #tpu.memory_space<vmem>>, %arg2: memref<10112x128xf32, #tpu.memory_space<vmem>>) attributes {dimension_semantics = [], scalar_prefetch = 0 : i64, scratch_operands = 0 : i64, tpu.core_type = #tpu.core_type<tc>} {
    %get3A = arith.constant 0 : index
    %get3A_0 = arith.constant 0 : index
    %get3A_1 = vector.load %arg0[%get3A, %get3A_0] : memref<10112x128xf32, #tpu.memory_space<vmem>>, vector<10112x128xf32>
    %iota3A = tpu.iota {dimensions = array<i32: 1>} : vector<10112x128xi32>
    %eq3A = arith.constant 0 : i32
    %eq3A_2 = vector.broadcast %eq3A : i32 to vector<10112x128xi32>
    %eq3A_3 = arith.cmpi eq, %iota3A, %eq3A_2 : vector<10112x128xi32>
    %jit3A = arith.constant 0.000000e+00 : f32
    %broadcast_in_dim3A = vector.broadcast %jit3A : f32 to vector<10112x128xf32>
    %select_n3A = arith.select %eq3A_3, %broadcast_in_dim3A, %get3A_1 : vector<10112x128xi1>, vector<10112x128xf32>
    %mul3A = arith.mulf %select_n3A, %select_n3A : vector<10112x128xf32>
    %reduce_sum3A = arith.constant dense<0.000000e+00> : vector<10112xf32>
    %reduce_sum3A_4 = vector.multi_reduction <add>, %mul3A, %reduce_sum3A [1] : vector<10112x128xf32> to vector<10112xf32>
    %broadcast_in_dim3A_5 = vector.shape_cast %reduce_sum3A_4 : vector<10112xf32> to vector<10112x1xf32>
    %add3A = arith.constant 1.000000e+00 : f32
    %add3A_6 = vector.broadcast %add3A : f32 to vector<10112x1xf32>
    %add3A_7 = arith.addf %add3A_6, %broadcast_in_dim3A_5 : vector<10112x1xf32>
    %sqrt3A = math.sqrt %add3A_7 : vector<10112x1xf32>
    %max3A = arith.constant 1.00000012 : f32
    %max3A_8 = vector.broadcast %max3A : f32 to vector<10112x1xf32>
    %max3A_9 = arith.maximumf %sqrt3A, %max3A_8 : vector<10112x1xf32>
    %sub3A = arith.constant 1.000000e+00 : f32
    %sub3A_10 = vector.broadcast %sub3A : f32 to vector<10112x1xf32>
    %sub3A_11 = arith.subf %max3A_9, %sub3A_10 : vector<10112x1xf32>
    %add3A_12 = arith.constant 1.000000e+00 : f32
    %add3A_13 = vector.broadcast %add3A_12 : f32 to vector<10112x1xf32>
    %add3A_14 = arith.addf %max3A_9, %add3A_13 : vector<10112x1xf32>
    %mul3A_15 = arith.mulf %sub3A_11, %add3A_14 : vector<10112x1xf32>
    %sqrt3A_16 = math.sqrt %mul3A_15 : vector<10112x1xf32>
    %add3A_17 = arith.addf %max3A_9, %sqrt3A_16 : vector<10112x1xf32>
    %log3A = math.log %add3A_17 : vector<10112x1xf32>
    %sqrt3A_18 = math.sqrt %broadcast_in_dim3A_5 : vector<10112x1xf32>
    %max3A_19 = arith.constant 1.000000e-07 : f32
    %max3A_20 = vector.broadcast %max3A_19 : f32 to vector<10112x1xf32>
    %max3A_21 = arith.maximumf %sqrt3A_18, %max3A_20 : vector<10112x1xf32>
    %div3A = arith.divf %log3A, %max3A_21 : vector<10112x1xf32>
    %mul3A_22 = vector.broadcast %div3A : vector<10112x1xf32> to vector<10112x128xf32>
    %mul3A_23 = arith.mulf %mul3A_22, %select_n3A : vector<10112x128xf32>
    %get3A_24 = arith.constant 0 : index
    %get3A_25 = arith.constant 0 : index
    %get3A_26 = vector.load %arg1[%get3A_24, %get3A_25] : memref<128x128xf32, #tpu.memory_space<vmem>>, vector<128x128xf32>
    %dot_general3A = arith.constant dense<0.000000e+00> : vector<10112x128xf32>
    %dot_general3A_27 = tpu.matmul %mul3A_23, %get3A_26, %dot_general3A {dimension_numbers = #tpu.dot_dimension_numbers<[1], [0], [0], [1], [0, 0, 1, 1], [], []>, transpose_lhs_hint = false} : vector<10112x128xf32>, vector<128x128xf32>, vector<10112x128xf32> -> vector<10112x128xf32>
    %jit3A_28 = arith.constant 1.000000e+00 : f32
    %broadcast_in_dim3A_29 = vector.broadcast %jit3A_28 : f32 to vector<10112x128xf32>
    %select_n3A_30 = arith.select %eq3A_3, %broadcast_in_dim3A_29, %dot_general3A_27 : vector<10112x128xi1>, vector<10112x128xf32>
    %swap3A = arith.constant 0 : index
    %swap3A_31 = arith.constant 0 : index
    %swap3A_32 = vector.load %arg2[%swap3A, %swap3A_31] : memref<10112x128xf32, #tpu.memory_space<vmem>>, vector<10112x128xf32>
    tpu.vector_store %arg2[%swap3A, %swap3A_31], %select_n3A_30 {strides = array<i32>} : memref<10112x128xf32, #tpu.memory_space<vmem>>, vector<10112x128xf32>,
    return
  }
}

module attributes {stable_mosaic.version = 14 : i64} {
  func.func @_update_body(%arg0: memref<10112x128xf32, #tpu.memory_space<vmem>>, %arg1: memref<2x10112x128xf32, #tpu.memory_space<vmem>>, %arg2: memref<10112x128xf32, #tpu.memory_space<vmem>>) attributes {dimension_semantics = [], scalar_prefetch = 0 : i64, scratch_operands = 0 : i64, tpu.core_type = #tpu.core_type<tc>} {
    %get3A = arith.constant 0 : index
    %get3A_0 = arith.constant 0 : index
    %get3A_1 = vector.load %arg0[%get3A, %get3A_0] : memref<10112x128xf32, #tpu.memory_space<vmem>>, vector<10112x128xf32>
    %get3A_2 = arith.constant 0 : index
    %get3A_3 = arith.constant 0 : index
    %get3A_4 = arith.constant 0 : index
    %get3A_5 = vector.load %arg1[%get3A_2, %get3A_3, %get3A_4] : memref<2x10112x128xf32, #tpu.memory_space<vmem>>, vector<1x10112x128xf32>
    %get3A_6 = vector.shape_cast %get3A_5 : vector<1x10112x128xf32> to vector<10112x128xf32>
    %get3A_7 = arith.constant 1 : index
    %get3A_8 = arith.constant 0 : index
    %get3A_9 = arith.constant 0 : index
    %get3A_10 = vector.load %arg1[%get3A_7, %get3A_8, %get3A_9] : memref<2x10112x128xf32, #tpu.memory_space<vmem>>, vector<1x10112x128xf32>
    %get3A_11 = vector.shape_cast %get3A_10 : vector<1x10112x128xf32> to vector<10112x128xf32>
    %add3A = arith.addf %get3A_6, %get3A_11 : vector<10112x128xf32>
    %iota3A = tpu.iota {dimensions = array<i32: 1>} : vector<10112x128xi32>
    %eq3A = arith.constant 0 : i32
    %eq3A_12 = vector.broadcast %eq3A : i32 to vector<10112x128xi32>
    %eq3A_13 = arith.cmpi eq, %iota3A, %eq3A_12 : vector<10112x128xi32>
    %jit3A = arith.constant 0.000000e+00 : f32
    %broadcast_in_dim3A = vector.broadcast %jit3A : f32 to vector<10112x128xf32>
    %select_n3A = arith.select %eq3A_13, %add3A, %broadcast_in_dim3A : vector<10112x128xi1>, vector<10112x128xf32>
    %reduce_sum3A = arith.constant dense<0.000000e+00> : vector<10112xf32>
    %reduce_sum3A_14 = vector.multi_reduction <add>, %select_n3A, %reduce_sum3A [1] : vector<10112x128xf32> to vector<10112xf32>
    %broadcast_in_dim3A_15 = vector.shape_cast %reduce_sum3A_14 : vector<10112xf32> to vector<10112x1xf32>
    %max3A = arith.constant 1.000000e+00 : f32
    %max3A_16 = vector.broadcast %max3A : f32 to vector<10112x1xf32>
    %max3A_17 = arith.maximumf %broadcast_in_dim3A_15, %max3A_16 : vector<10112x1xf32>
    %div3A = vector.broadcast %max3A_17 : vector<10112x1xf32> to vector<10112x128xf32>
    %div3A_18 = arith.divf %add3A, %div3A : vector<10112x128xf32>
    %add3A_19 = arith.addf %get3A_1, %div3A_18 : vector<10112x128xf32>
    %jit3A_20 = arith.constant 0.000000e+00 : f32
    %broadcast_in_dim3A_21 = vector.broadcast %jit3A_20 : f32 to vector<10112x128xf32>
    %select_n3A_22 = arith.select %eq3A_13, %broadcast_in_dim3A_21, %add3A_19 : vector<10112x128xi1>, vector<10112x128xf32>
    %mul3A = arith.mulf %select_n3A_22, %select_n3A_22 : vector<10112x128xf32>
    %reduce_sum3A_23 = arith.constant dense<0.000000e+00> : vector<10112xf32>
    %reduce_sum3A_24 = vector.multi_reduction <add>, %mul3A, %reduce_sum3A_23 [1] : vector<10112x128xf32> to vector<10112xf32>
    %broadcast_in_dim3A_25 = vector.shape_cast %reduce_sum3A_24 : vector<10112xf32> to vector<10112x1xf32>
    %sqrt3A = math.sqrt %broadcast_in_dim3A_25 : vector<10112x1xf32>
    %max3A_26 = arith.constant 1.000000e-07 : f32
    %max3A_27 = vector.broadcast %max3A_26 : f32 to vector<10112x1xf32>
    %max3A_28 = arith.maximumf %sqrt3A, %max3A_27 : vector<10112x1xf32>
    %exp3A = math.exp %max3A_28 : vector<10112x1xf32>
    %neg3A = arith.constant 0.000000e+00 : f32
    %neg3A_29 = vector.broadcast %neg3A : f32 to vector<10112x1xf32>
    %neg3A_30 = arith.subf %neg3A_29, %max3A_28 : vector<10112x1xf32>
    %exp3A_31 = math.exp %neg3A_30 : vector<10112x1xf32>
    %sub3A = arith.subf %exp3A, %exp3A_31 : vector<10112x1xf32>
    %mul3A_32 = arith.constant 5.000000e-01 : f32
    %mul3A_33 = vector.broadcast %mul3A_32 : f32 to vector<10112x1xf32>
    %mul3A_34 = arith.mulf %mul3A_33, %sub3A : vector<10112x1xf32>
    %div3A_35 = arith.divf %mul3A_34, %max3A_28 : vector<10112x1xf32>
    %mul3A_36 = vector.broadcast %div3A_35 : vector<10112x1xf32> to vector<10112x128xf32>
    %mul3A_37 = arith.mulf %mul3A_36, %select_n3A_22 : vector<10112x128xf32>
    %mul3A_38 = arith.mulf %mul3A_37, %mul3A_37 : vector<10112x128xf32>
    %reduce_sum3A_39 = arith.constant dense<0.000000e+00> : vector<10112xf32>
    %reduce_sum3A_40 = vector.multi_reduction <add>, %mul3A_38, %reduce_sum3A_39 [1] : vector<10112x128xf32> to vector<10112xf32>
    %broadcast_in_dim3A_41 = vector.shape_cast %reduce_sum3A_40 : vector<10112xf32> to vector<10112x1xf32>
    %add3A_42 = arith.constant 1.000000e+00 : f32
    %add3A_43 = vector.broadcast %add3A_42 : f32 to vector<10112x1xf32>
    %add3A_44 = arith.addf %add3A_43, %broadcast_in_dim3A_41 : vector<10112x1xf32>
    %sqrt3A_45 = math.sqrt %add3A_44 : vector<10112x1xf32>
    %broadcast_in_dim3A_46 = vector.shape_cast %sqrt3A_45 : vector<10112x1xf32> to vector<10112x1xf32>
    %broadcast_in_dim3A_47 = vector.broadcast %broadcast_in_dim3A_46 : vector<10112x1xf32> to vector<10112x128xf32>
    %select_n3A_48 = arith.select %eq3A_13, %broadcast_in_dim3A_47, %mul3A_37 : vector<10112x128xi1>, vector<10112x128xf32>
    %swap3A = arith.constant 0 : index
    %swap3A_49 = arith.constant 0 : index
    %swap3A_50 = vector.load %arg2[%swap3A, %swap3A_49] : memref<10112x128xf32, #tpu.memory_space<vmem>>, vector<10112x128xf32>
    tpu.vector_store %arg2[%swap3A, %swap3A_49], %select_n3A_48 {strides = array<i32>} : memref<10112x128xf32, #tpu.memory_space<vmem>>, vector<10112x128xf32>,
    return
  }
}

module attributes {stable_mosaic.version = 14 : i64} {
  func.func @_dist_body(%arg0: memref<2x4096x128xf32, #tpu.memory_space<vmem>>, %arg1: memref<4096x128xf32, #tpu.memory_space<vmem>>) attributes {dimension_semantics = [], scalar_prefetch = 0 : i64, scratch_operands = 0 : i64, tpu.core_type = #tpu.core_type<tc>} {
    %get3A = arith.constant 0 : index
    %get3A_0 = arith.constant 0 : index
    %get3A_1 = arith.constant 0 : index
    %get3A_2 = vector.load %arg0[%get3A, %get3A_0, %get3A_1] : memref<2x4096x128xf32, #tpu.memory_space<vmem>>, vector<1x4096x128xf32>
    %get3A_3 = vector.shape_cast %get3A_2 : vector<1x4096x128xf32> to vector<4096x128xf32>
    %get3A_4 = arith.constant 1 : index
    %get3A_5 = arith.constant 0 : index
    %get3A_6 = arith.constant 0 : index
    %get3A_7 = vector.load %arg0[%get3A_4, %get3A_5, %get3A_6] : memref<2x4096x128xf32, #tpu.memory_space<vmem>>, vector<1x4096x128xf32>
    %get3A_8 = vector.shape_cast %get3A_7 : vector<1x4096x128xf32> to vector<4096x128xf32>
    %mul3A = arith.mulf %get3A_3, %get3A_8 : vector<4096x128xf32>
    %iota3A = tpu.iota {dimensions = array<i32: 1>} : vector<4096x128xi32>
    %eq3A = arith.constant 0 : i32
    %eq3A_9 = vector.broadcast %eq3A : i32 to vector<4096x128xi32>
    %eq3A_10 = arith.cmpi eq, %iota3A, %eq3A_9 : vector<4096x128xi32>
    %jit3A = arith.constant 0.000000e+00 : f32
    %broadcast_in_dim3A = vector.broadcast %jit3A : f32 to vector<4096x128xf32>
    %select_n3A = arith.select %eq3A_10, %mul3A, %broadcast_in_dim3A : vector<4096x128xi1>, vector<4096x128xf32>
    %reduce_sum3A = arith.constant dense<0.000000e+00> : vector<4096xf32>
    %reduce_sum3A_11 = vector.multi_reduction <add>, %select_n3A, %reduce_sum3A [1] : vector<4096x128xf32> to vector<4096xf32>
    %broadcast_in_dim3A_12 = vector.shape_cast %reduce_sum3A_11 : vector<4096xf32> to vector<4096x1xf32>
    %jit3A_13 = arith.constant 0.000000e+00 : f32
    %broadcast_in_dim3A_14 = vector.broadcast %jit3A_13 : f32 to vector<4096x128xf32>
    %select_n3A_15 = arith.select %eq3A_10, %broadcast_in_dim3A_14, %mul3A : vector<4096x128xi1>, vector<4096x128xf32>
    %reduce_sum3A_16 = arith.constant dense<0.000000e+00> : vector<4096xf32>
    %reduce_sum3A_17 = vector.multi_reduction <add>, %select_n3A_15, %reduce_sum3A_16 [1] : vector<4096x128xf32> to vector<4096xf32>
    %broadcast_in_dim3A_18 = vector.shape_cast %reduce_sum3A_17 : vector<4096xf32> to vector<4096x1xf32>
    %sub3A = arith.subf %broadcast_in_dim3A_12, %broadcast_in_dim3A_18 : vector<4096x1xf32>
    %max3A = arith.constant 1.000010e+00 : f32
    %max3A_19 = vector.broadcast %max3A : f32 to vector<4096x1xf32>
    %max3A_20 = arith.maximumf %sub3A, %max3A_19 : vector<4096x1xf32>
    %sub3A_21 = arith.constant 1.000000e+00 : f32
    %sub3A_22 = vector.broadcast %sub3A_21 : f32 to vector<4096x1xf32>
    %sub3A_23 = arith.subf %max3A_20, %sub3A_22 : vector<4096x1xf32>
    %add3A = arith.constant 1.000000e+00 : f32
    %add3A_24 = vector.broadcast %add3A : f32 to vector<4096x1xf32>
    %add3A_25 = arith.addf %max3A_20, %add3A_24 : vector<4096x1xf32>
    %mul3A_26 = arith.mulf %sub3A_23, %add3A_25 : vector<4096x1xf32>
    %sqrt3A = math.sqrt %mul3A_26 : vector<4096x1xf32>
    %add3A_27 = arith.addf %max3A_20, %sqrt3A : vector<4096x1xf32>
    %log3A = math.log %add3A_27 : vector<4096x1xf32>
    %mul3A_28 = arith.mulf %log3A, %log3A : vector<4096x1xf32>
    %min3A = arith.constant 1.500000e+01 : f32
    %min3A_29 = vector.broadcast %min3A : f32 to vector<4096x1xf32>
    %min3A_30 = arith.minimumf %mul3A_28, %min3A_29 : vector<4096x1xf32>
    %broadcast_in_dim3A_31 = vector.shape_cast %min3A_30 : vector<4096x1xf32> to vector<4096x1xf32>
    %broadcast_in_dim3A_32 = vector.broadcast %broadcast_in_dim3A_31 : vector<4096x1xf32> to vector<4096x128xf32>
    %swap3A = arith.constant 0 : index
    %swap3A_33 = arith.constant 0 : index
    %swap3A_34 = vector.load %arg1[%swap3A, %swap3A_33] : memref<4096x128xf32, #tpu.memory_space<vmem>>, vector<4096x128xf32>
    tpu.vector_store %arg1[%swap3A, %swap3A_33], %broadcast_in_dim3A_32 {strides = array<i32>} : memref<4096x128xf32, #tpu.memory_space<vmem>>, vector<4096x128xf32>,
    return
  }
}

</mosaic_0001>

<sc_bundles>
// kernel: kernel.10.cloned.1.call-start
scs
__scs_entry_jumppad:
0x0: {  	(pc) =	sbr.rel $0x88, $3  }
0x1: {  	(tag) =	ssettag $0x0;
	lr =	simm.s32 $0x1  }
0x2: {  	[smem:$0x3F9C] =	sst lr;
	_ =	strace $0xD0000000  }
0x3: {  	_ = 	snop  }
0x4: {  	_ = 	snop  }
0x5: {  	_ = 	snop  }
0x6: {  	_ = 	snop  }
0x7: {  	_ = 	snop  }
__scs_overlays_trampoline_lowered:
0x8: {  	[smem:$0x3FAB] =	sst s0  }
0x9: {  	[smem:$0x3FAC] =	sst s1  }
0xa: {  	[smem:$0x3FAD] =	sst s2  }
0xb: {  	[smem:$0x3FAE] =	sst s3  }
0xc: {  	[smem:$0x3FAF] =	sst s4  }
0xd: {  	[smem:$0x3FB0] =	sst s5  }
0xe: {  	[smem:$0x3FB1] =	sst s6  }
0xf: {  	[smem:$0x3FB2] =	sst s7  }
0x10: {  	[smem:$0x3FB3] =	sst s8  }
0x11: {  	[smem:$0x3FB4] =	sst s9;
	s0 =	simm.s32 @!p0 $0x0  }
0x12: {  	s1 =	sld [smem:$0x3F9A];
	s0 =	simm.s32 @p0 $0x1  }
0x13: {  	[smem:$0x3FB5] =	sst s0;
	s0 =	simm.s32 @!p1 $0x0  }
0x14: {  	s2 =	sld [smem:$0x3F99];
	s0 =	simm.s32 @p1 $0x1  }
0x15: {  	[smem:$0x3FB6] =	sst s0;
	s0 =	simm.s32 @!p2 $0x0  }
0x16: {  	s3 =	sld [smem:$0x3FDB];
	s0 =	simm.s32 @p2 $0x1  }
0x17: {  	s4 =	simm.s32 $0x1BF5;
	[smem:$0x3FB8] =	sst s0  }
0x18: {  	s0 =	sld [smem:$0x3F9B];
	_ =	swait.ge [sflag:s4], $0x0  }
0x19: {  	s7 =	sld [smem:$0x3F9C]  }
0x1a: {  	s8 =	sadd.s32 $0xFFFFE003, lr  }
0x1b: {  	s9 =	sadd.s32 $0xFFFFFEF7, lr;
	s5 =	simm.s32 $0xFFFFFFFF;
	p2 =	slt.u32 s8, $0xFFFFF086  }
0x1c: {  	p1 =	slt.u32 s9, $0xF7A;
	s5 =	simm.s32 @!p2 $0x0  }
0x1d: {  	s5 =	simm.s32 @p1 $0x1;
	p0 =	seq.s32 s7, s2  }
0x1e: {  	s7 =	smul.u32 @!p0 $0xF7A, s2;
	p2 =	seq.s32 @!p0 s5, $0x0  }
0x1f: {  	s9 =	smul.u32 $0xF7A, s1;
	s8 =	simm.s32 @!p0 $0x1BF5;
	p2 =	por !p2, p0  }
0x20: {  	[sflag:s8] =	ssyncset.s32 @!p0 $0xFFFFF086;
	s6 =	sadd.s32 @!p0 s3, s7;
	s7 =	simm.s32 @!p0 $0x108  }
0x21: {  	s3 =	sadd.s32 s3, s9;
	s6 =	sadd.s32 @!p0 $0x88, s6;
	s7 =	simm.s32 @p2 $0x1082  }
0x22: {  	[simem:s7], [sflag:s8] =	dma.local @!p0 [hbm:s6], $0xF7A  }
0x23: {  	s9 =	sor.u32 $0xD0000000, s2;
	s6 =	simm.s32 $0x108;
	_ =	swait.ge @!p0 [sflag:s8], $0x0  }
0x24: {  	s3 =	sadd.s32 $0x88, s3;
	s6 =	simm.s32 @!p1 $0x1082;
	[sflag:s4] =	ssyncset.s32 $0xFFFFF086  }
0x25: {  	[simem:s6], [sflag:s4] =	dma.local [hbm:s3], $0xF7A  }
0x26: {  	[smem:$0x3F9C] =	sst s1;
	(tag) =	ssettag s2;
	_ =	strace s9  }
0x27: {  	s1 =	sld [smem:$0x3FAC]  }
0x28: {  	s2 =	sld [smem:$0x3FAD]  }
0x29: {  	s4 =	sld [smem:$0x3FAF]  }
0x2a: {  	p0 =	seq.s32 s5, $0x0;
	s5 =	sld [smem:$0x3FB0]  }
0x2b: {  	s6 =	sld [smem:$0x3FB1]  }
0x2c: {  	s7 =	sld [smem:$0x3FB2]  }
0x2d: {  	s3 =	simm.s32 $0x108;
	s8 =	sld [smem:$0x3FB3]  }
0x2e: {  	s3 =	simm.s32 @!p0 $0x1082;
	s9 =	sld [smem:$0x3FB4]  }
0x2f: {  	lr =	sadd.s32 s0, s3;
	s0 =	sld [smem:$0x3FAB]  }
0x30: {  	s3 =	sld [smem:$0x3FAE]  }
0x31: {  	[smem:$0x3FB7] =	sst s10  }
0x32: {  	s10 =	sld [smem:$0x3FB5];
	_ =	sdelay $0x3  }
0x33: {  	p0 =	seq.s32 s10, $0x1;
	s10 =	sld [smem:$0x3FB7];
	_ =	sdelay $0x3  }
0x34: {  	[smem:$0x3FB7] =	sst s10  }
0x35: {  	s10 =	sld [smem:$0x3FB6];
	_ =	sdelay $0x3  }
0x36: {  	p1 =	seq.s32 s10, $0x1;
	s10 =	sld [smem:$0x3FB7];
	_ =	sdelay $0x3  }
0x37: {  	[smem:$0x3FB7] =	sst s10  }
0x38: {  	s10 =	sld [smem:$0x3FB8]  }
0x39: {  	_ = 	snop;
	(pc) =	sbr.ind lr, $3  }
0x3a: {  	_ = 	snop  }
0x3b: {  	_ = 	snop  }
0x3c: {  	p2 =	seq.s32 s10, $0x1;
	s10 =	sld [smem:$0x3FB7]  }
0x3d: {  	_ =	shalt  }
0x3e: {  	_ =	shalt  }
0x3f: {  	_ =	shalt  }
0x40: {  	_ =	shalt  }
0x41: {  	_ =	shalt  }
0x42: {  	_ =	shalt  }
0x43: {  	_ =	shalt  }
0x44: {  	_ =	shalt  }
0x45: {  	_ =	shalt  }
0x46: {  	_ =	shalt  }
0x47: {  	_ =	shalt  }
0x48: {  	_ =	shalt  }
0x49: {  	_ =	shalt  }
0x4a: {  	_ =	shalt  }
0x4b: {  	_ =	shalt  }
0x4c: {  	_ =	shalt  }
0x4d: {  	_ =	shalt  }
0x4e: {  	_ =	shalt  }
0x4f: {  	_ =	shalt  }
0x50: {  	_ =	shalt  }
0x51: {  	_ =	shalt  }
0x52: {  	_ =	shalt  }
0x53: {  	_ =	shalt  }
0x54: {  	_ =	shalt  }
0x55: {  	_ =	shalt  }
0x56: {  	_ =	shalt  }
0x57: {  	_ =	shalt  }
0x58: {  	_ =	shalt  }
0x59: {  	_ =	shalt  }
0x5a: {  	_ =	shalt  }
0x5b: {  	_ =	shalt  }
0x5c: {  	_ =	shalt  }
0x5d: {  	_ =	shalt  }
0x5e: {  	_ =	shalt  }
0x5f: {  	_ =	shalt  }
0x60: {  	_ =	shalt  }
0x61: {  	_ =	shalt  }
0x62: {  	_ =	shalt  }
0x63: {  	_ =	shalt  }
0x64: {  	_ =	shalt  }
0x65: {  	_ =	shalt  }
0x66: {  	_ =	shalt  }
0x67: {  	_ =	shalt  }
0x68: {  	_ =	shalt  }
0x69: {  	_ =	shalt  }
0x6a: {  	_ =	shalt  }
0x6b: {  	_ =	shalt  }
0x6c: {  	_ =	shalt  }
0x6d: {  	_ =	shalt  }
0x6e: {  	_ =	shalt  }
0x6f: {  	_ =	shalt  }
0x70: {  	_ =	shalt  }
0x71: {  	_ =	shalt  }
0x72: {  	_ =	shalt  }
0x73: {  	_ =	shalt  }
0x74: {  	_ =	shalt  }
0x75: {  	_ =	shalt  }
0x76: {  	_ =	shalt  }
0x77: {  	_ =	shalt  }
0x78: {  	_ =	shalt  }
0x79: {  	_ =	shalt  }
0x7a: {  	_ =	shalt  }
0x7b: {  	_ =	shalt  }
0x7c: {  	_ =	shalt  }
0x7d: {  	_ =	shalt  }
0x7e: {  	_ =	shalt  }
0x7f: {  	_ =	shalt  }
0x80: {  	_ =	shalt  }
0x81: {  	_ =	shalt  }
0x82: {  	_ =	shalt  }
0x83: {  	_ =	shalt  }
0x84: {  	_ =	shalt  }
0x85: {  	_ =	shalt  }
0x86: {  	_ =	shalt  }
0x87: {  	_ =	shalt  }
.Lfunc_end0:
.L_simem_size_0:
called_computation.1_lowered:
.L_overlay_start_0:
0x88: {  	s2 =	sld [smem:$0x3FD9]  }
0x89: {  	s3 =	sld [smem:$0x3FFE];
	_ =	sdelay $0x1  }
0x8a: {  	s1 =	srdreg.scid  }
0x8b: {  	s0 =	sand.u32 $0x1, s1  }
0x8c: {  	s17 =	sshll.u32 s0, $0xA;
	s2 =	sadd.s32 s3, s2  }
0x8d: {  	s2 =	sadd.s32 s2, s17  }
0x8e: {  	[smem:$0x3FC3] =	sst s2  }
0x8f: {  	_ = 	snop  }
0x90: {  	s2 =	sld [smem:$0x3FD0];
	(tm) =	ssettm $0x1  }
0x91: {  	s18 =	sld [smem:$0x3FFB];
	_ =	sdelay $0x3  }
0x92: {  	_ =	strace s18  }
0x93: {  	s3 =	sld [smem:$0x3FFC];
	_ =	sdelay $0x3  }
0x94: {  	_ =	strace s3  }
0x95: {  	s3 =	sld [smem:$0x3FFD];
	_ =	sdelay $0x3  }
0x96: {  	_ =	strace s3  }
0x97: {  	_ =	strace $0x8FFFFFFF  }
0x98: {  	s19 =	sld [smem:$0x3FDB];
	_ =	sdelay $0x1  }
0x99: {  	s4 =	simm.s32 $_scs_section_size  }
0x9a: {  	s5 =	simm.s32 $_size__tile_overlayer_lowered;
	s6 =	simm.s32 $_tile_overlayer_lowered  }
0x9b: {  	s22 =	simm.s32 $0x1BFF;
	s21 =	sshll.u32 s6, $0x1;
	s3 =	sadd.s32 s4, s19  }
0x9c: {  	s7 =	simm.s32 $0x0;
	s20 =	sshll.u32 s5, $0x1;
	s5 =	sadd.s32 s21, s3  }
0x9d: {  	[timem:s7], [sflag:s22] =	dma.local [hbm:s5], s20  }
0x9e: {  	_ =	swait.ge [sflag:s22], s20  }
0x9f: {  	s4 =	ssub.s32 $0x0, s20;
	[sflag:s22] =	ssyncset.done $0x0  }
0xa0: {  	[sflag:s22] =	ssyncadd.s32 s4;
	_ =	sdelay $0x1  }
0xa1: {  	s23 =	simm.s32 $0x1B8B  }
0xa2: {  	_ =	swait.ge [sflag:s23], $0x1  }
0xa3: {  	[sflag:s23] =	ssyncset.done $0x0  }
0xa4: {  	s25 =	simm.s32 $0x1B8E;
	s24 =	sld [smem:$0x3FFE];
	[sflag:s23] =	ssyncadd.s32 $0xFFFFFFFF  }
0xa5: {  	s26 =	simm.s32 $execute0_lowered;
	[smem:$0x3FD2] =	sst s25  }
0xa6: {  	s5 =	sshll.u32 s26, $0x1;
	_ =	strace $0x80000049;
	[dreg:$0x1] =	wrdreg $0xFFFFFFFF  }
0xa7: {  	s28 =	simm.s32 $_size_execute0_lowered;
	s3 =	sadd.s32 s3, s5;
	[dreg:$0x0] =	wrdreg $0x0  }
0xa8: {  	s5 =	sshll.u32 s28, $0x1;
	[dreg:$0x2] =	wrdreg s3  }
0xa9: {  	[dreg:$0x3] =	wrdreg s5  }
0xaa: {  	[dreg:$0x4] =	wrdreg $0xC0  }
0xab: {  	_ =	task [dreg:s7], $0x5FFFF  }
0xac: {  	[dreg:$0x1] =	wrdreg $0xFFFFFFFF  }
0xad: {  	[dreg:$0x0] =	wrdreg $0x60  }
0xae: {  	[dreg:$0x2] =	wrdreg s24  }
0xaf: {  	[dreg:$0x3] =	wrdreg s2  }
0xb0: {  	[dreg:$0x4] =	wrdreg $0x9  }
0xb1: {  	_ =	task.clear_ibuf [dreg:s7], $0x5FFFF;
	_ =	strace $0x90000049  }
0xb2: {  	s29 =	simm.s32 $0x9;
	_ =	strace $0x8000004B  }
0xb3: {  	_ =	swait.ge [sflag:s29], $0x1  }
0xb4: {  	[sflag:s29] =	ssyncadd.s32 $0xFFFFFFFF  }
0xb5: {  	_ =	strace $0x9000004B  }
0xb6: {  	_ =	sfence  }
0xb7: {  	s30 =	sld [smem:$0x0];
	_ =	sdelay $0x2  }
0xb8: {  	s31 =	sshll.u32 s1, $0xD;
	s1 =	sshrl.u32 s1, $0x2  }
0xb9: {  	s3 =	sand.u32 $0x4000, s31;
	s1 =	sadd.s32 s1, s30  }
0xba: {  	s0 =	sor.u32 s3, s0;
	s1 =	sshll.u32 s1, $0x11  }
0xbb: {  	s0 =	sor.u32 s1, s0  }
0xbc: {  	s0 =	sadd.s32 $0x8F2B, s0  }
0xbd: {  	[sflag:s0] =	ssyncadd.remote.s32 $0x1  }
0xbe: {  	_ =	sfence.sel $0xFFFF  }
0xbf: {  	[dreg:$0x0] =	wrdreg $0xFFFFFFFF;
	(pc) =	sbr.abs _section_cstart, $3  }
0xc0: {  	[dreg:$0x1] =	wrdreg $0xFFFFFFFF  }
0xc1: {  	_ =	task.clear_ibuf [dreg:s7], $0x2FFFF;
	_ =	strace $0x9FFFFFFF  }
0xc2: {  	(tm) =	ssettm $0x7FFFFFFF  }
0xc3: {  	_ =	shalt  }
tec
execute0_lowered:
.L_overlay_start_1:
0x0: {  	(tag) =	ssettag $0x1  }
0x1: {  	s1 =	srdreg.scid  }
0x2: {  	s0 =	stileid.u32;
	s10 =	sand.u32 $0x1, s1  }
0x3: {  	s11 =	rddreg [dreg:$0x0];
	s30 =	sshll.u32 s0, $0x8;
	s2 =	sshll.u32 s10, $0x7  }
0x4: {  	s9 =	rddreg [dreg:$0x1];
	s8 =	sor.u32 s2, s30  }
0x5: {  	s1 =	rddreg [dreg:$0x2];
	s2 =	simm.s32 $0x0;
	s12 =	sshrl.u32 s8, $0x3  }
0x6: {  	[smem:$0x7FF] =	sst s2;
	s3 =	sadd.s32 s12, s11  }
0x7: {  	_ =	strace $0x8000004A;
	s4 =	sadd.s32 $0xB3600, s3;
	s3 =	simm.s32 $0x2  }
0x8: {  	[tilespmem:s2], [sflag:$0x2] =	stream.linear.gather [hbm4b:s4+s2], $0x80, $0x38;
	[tilespmem:$0x4080] =	vst v63  }
0x9: {  	_ =	swait.ge [sflag:s3], $0x80  }
0xa: {  	s6 =	simm.s32 $0x80;
	[sflag:s3] =	ssyncset.done $0x0  }
0xb: {  	s7 =	simm.s32 $0x1;
	s5 =	sadd.s32 $0x1600, s11;
	[sflag:s3] =	ssyncadd.s32 $0xFFFFFF80  }
0xc: {  	[tilespmem:s6], [sflag:$0x1] =	stream.indirect.gather [hbm4b:s5+s6], $0x80, s2, s6, $0xb8;
	[tilespmem:$0x4080] =	vst v63  }
0xd: {  	s13 =	sshll.u32 s8, $0x4;
	_ =	swait.ge [sflag:s7], $0x4000  }
0xe: {  	s8 =	sadd.s32 s13, s11;
	[sflag:s7] =	ssyncset.done $0x0  }
0xf: {  	s8 =	sadd.s32 $0x28E00, s8;
	[sflag:s7] =	ssyncadd.s32 $0xFFFFC000  }
0x10: {  	[hbm4b:s8+s2] =	stream.linear.scatter [tilespmem:s6], [sflag:$0x2], $0x4000, $0x38;
	[tilespmem:$0x4080] =	vst v63  }
0x11: {  	_ =	swait.ge [sflag:s3], $0x4000  }
0x12: {  	[sflag:s3] =	ssyncset.done $0x0  }
0x13: {  	s10 =	ssub.s32 $0x2, s10;
	s9 =	sadd.s32 s9, s12;
	[sflag:s3] =	ssyncadd.s32 $0xFFFFC000  }
0x14: {  	[tilespmem:s2], [sflag:$0x2] =	stream.linear.gather [hbm4b:s9+s2], $0x80, $0x38;
	[tilespmem:$0x4080] =	vst v63  }
0x15: {  	s31 =	sshrl.u32 s10, $0x1;
	_ =	swait.ge [sflag:s3], $0x80  }
0x16: {  	s10 =	ssub.s32 s10, s31;
	[sflag:s3] =	ssyncset.done $0x0  }
0x17: {  	s12 =	smax.u32 s10, $0x1;
	[sflag:s3] =	ssyncadd.s32 $0xFFFFFF80  }
0x18: {  	[tilespmem:s6], [sflag:$0x1] =	stream.indirect.gather [hbm4b:s5+s6], $0x80, s2, s6, $0xb8;
	[tilespmem:$0x4080] =	vst v63  }
0x19: {  	p0 =	sne.s32 s12, $0x1;
	_ =	swait.ge [sflag:s7], $0x4000  }
.Ltmp0:
0x1a: {  	s11 =	sadd.s32 $0x38E00, s11;
	[sflag:s7] =	ssyncset.done $0x0;
	(pc) =	sbr.rel @!p0 .LBB2_2-.Ltmp0, $4  }
0x1b: {  	s10 =	sadd.s32 s13, s11;
	[sflag:s7] =	ssyncadd.s32 $0xFFFFC000  }
0x1c: {  	[hbm4b:s10+s2] =	stream.linear.scatter [tilespmem:s6], [sflag:$0x2], $0x4000, $0x38;
	[tilespmem:$0x4080] =	vst v63  }
0x1d: {  	_ =	swait.ge [sflag:s3], $0x4000  }
0x1e: {  	s11 =	sadd.s32 $0xFFFFFFFF, s12;
	[sflag:s3] =	ssyncset.done $0x0  }
.LBB2_1:
0x1f: {  	p0 =	sne.s32 s11, $0x1;
	s11 =	sadd.s32 $0xFFFFFFFF, s11;
	[sflag:s3] =	ssyncadd.s32 $0xFFFFC000  }
0x20: {  	[tilespmem:s2], [sflag:$0x2] =	stream.linear.gather [hbm4b:s4+s2], $0x80, $0x38;
	[tilespmem:$0x4080] =	vst v63  }
0x21: {  	_ =	swait.ge [sflag:s3], $0x80  }
0x22: {  	[sflag:s3] =	ssyncset.done $0x0  }
0x23: {  	[sflag:s3] =	ssyncadd.s32 $0xFFFFFF80  }
0x24: {  	[tilespmem:s6], [sflag:$0x1] =	stream.indirect.gather [hbm4b:s5+s6], $0x80, s2, s6, $0xb8;
	[tilespmem:$0x4080] =	vst v63  }
0x25: {  	_ =	swait.ge [sflag:s7], $0x4000  }
0x26: {  	[sflag:s7] =	ssyncset.done $0x0  }
0x27: {  	[sflag:s7] =	ssyncadd.s32 $0xFFFFC000  }
0x28: {  	[hbm4b:s8+s2] =	stream.linear.scatter [tilespmem:s6], [sflag:$0x2], $0x4000, $0x38;
	[tilespmem:$0x4080] =	vst v63  }
0x29: {  	_ =	swait.ge [sflag:s3], $0x4000  }
0x2a: {  	[sflag:s3] =	ssyncset.done $0x0  }
0x2b: {  	[sflag:s3] =	ssyncadd.s32 $0xFFFFC000  }
0x2c: {  	[tilespmem:s2], [sflag:$0x2] =	stream.linear.gather [hbm4b:s9+s2], $0x80, $0x38;
	[tilespmem:$0x4080] =	vst v63  }
0x2d: {  	_ =	swait.ge [sflag:s3], $0x80  }
0x2e: {  	[sflag:s3] =	ssyncset.done $0x0  }
0x2f: {  	[sflag:s3] =	ssyncadd.s32 $0xFFFFFF80  }
0x30: {  	[tilespmem:s6], [sflag:$0x1] =	stream.indirect.gather [hbm4b:s5+s6], $0x80, s2, s6, $0xb8;
	[tilespmem:$0x4080] =	vst v63  }
0x31: {  	_ =	swait.ge [sflag:s7], $0x4000  }
.Ltmp1:
0x32: {  	[sflag:s7] =	ssyncset.done $0x0;
	(pc) =	sbr.rel @p0 .LBB2_1-.Ltmp1, $4  }
0x33: {  	[sflag:s7] =	ssyncadd.s32 $0xFFFFC000  }
0x34: {  	[hbm4b:s10+s2] =	stream.linear.scatter [tilespmem:s6], [sflag:$0x2], $0x4000, $0x38;
	[tilespmem:$0x4080] =	vst v63  }
0x35: {  	_ =	swait.ge [sflag:s3], $0x4000  }
0x36: {  	[sflag:s3] =	ssyncset.done $0x0  }
.LBB2_2:
0x37: {  	[sflag:s3] =	ssyncadd.s32 $0xFFFFC000  }
0x38: {  	_ =	sfence.sel $0x180000  }
0x39: {  	[bflag:$0x0] =	sbarrier.arrive $0xFFFF  }
0x3a: {  	p0 =	sne.s32 s0, $0x0;
	_ =	strace $0x9000004A  }
0x3b: {  	s0 =	sadd.s32 @!p0 $0x100000, s1;
	[bflag:$0x2] =	sbarrier.arrive $0xFFFF  }
0x3c: {  	[sflag:s0] =	ssyncadd.tile.s32 @!p0 $0x1;
	_ =	shalt  }
.Lfunc_end2:
_tile_overlayer_lowered:
.L_overlay_start_2:
0x3d: {  	(tag) =	ssettag $0x2  }
0x3e: {  	s0 =	rddreg [dreg:$0x0];
	s2 =	stileid.u32  }
0x3f: {  	s1 =	rddreg [dreg:$0x1];
	p0 =	sne.s32 s2, $0x0  }
0x40: {  	s3 =	rddreg [dreg:$0x2];
	[bflag:$0x3] =	sbarrier.arrive $0xFFFF;
	s2 =	simm.s32 @!p0 $0x1C02  }
0x41: {  	[timem:s3], [sflag:s2] =	dma.local @!p0 [hbm:s0], s1  }
0x42: {  	s0 =	simm.s32 @!p0 $0x2  }
0x43: {  	_ =	swait.ge @!p0 [sflag:s0], s1  }
0x44: {  	s1 =	ssub.s32 @!p0 $0x0, s1;
	[sflag:s0] =	ssyncset.done @!p0 $0x0  }
0x45: {  	[sflag:s0] =	ssyncadd.s32 @!p0 s1  }
0x46: {  	[bflag:$0x3] =	sbarrier.arrive $0xFFFF  }
0x47: {  	_ =	shalt  }

// kernel: kernel.7.cloned.1.call-start
scs
__scs_entry_jumppad:
0x0: {  	(pc) =	sbr.rel $0x88, $3  }
0x1: {  	(tag) =	ssettag $0x0;
	lr =	simm.s32 $0x1  }
0x2: {  	[smem:$0x3F9C] =	sst lr;
	_ =	strace $0xD0000000  }
0x3: {  	_ = 	snop  }
0x4: {  	_ = 	snop  }
0x5: {  	_ = 	snop  }
0x6: {  	_ = 	snop  }
0x7: {  	_ = 	snop  }
__scs_overlays_trampoline_lowered:
0x8: {  	[smem:$0x3FAB] =	sst s0  }
0x9: {  	[smem:$0x3FAC] =	sst s1  }
0xa: {  	[smem:$0x3FAD] =	sst s2  }
0xb: {  	[smem:$0x3FAE] =	sst s3  }
0xc: {  	[smem:$0x3FAF] =	sst s4  }
0xd: {  	[smem:$0x3FB0] =	sst s5  }
0xe: {  	[smem:$0x3FB1] =	sst s6  }
0xf: {  	[smem:$0x3FB2] =	sst s7  }
0x10: {  	[smem:$0x3FB3] =	sst s8  }
0x11: {  	[smem:$0x3FB4] =	sst s9;
	s0 =	simm.s32 @!p0 $0x0  }
0x12: {  	s1 =	sld [smem:$0x3F9A];
	s0 =	simm.s32 @p0 $0x1  }
0x13: {  	[smem:$0x3FB5] =	sst s0;
	s0 =	simm.s32 @!p1 $0x0  }
0x14: {  	s2 =	sld [smem:$0x3F99];
	s0 =	simm.s32 @p1 $0x1  }
0x15: {  	[smem:$0x3FB6] =	sst s0;
	s0 =	simm.s32 @!p2 $0x0  }
0x16: {  	s3 =	sld [smem:$0x3FDB];
	s0 =	simm.s32 @p2 $0x1  }
0x17: {  	s4 =	simm.s32 $0x1BF5;
	[smem:$0x3FB8] =	sst s0  }
0x18: {  	s0 =	sld [smem:$0x3F9B];
	_ =	swait.ge [sflag:s4], $0x0  }
0x19: {  	s7 =	sld [smem:$0x3F9C]  }
0x1a: {  	s8 =	sadd.s32 $0xFFFFE003, lr  }
0x1b: {  	s9 =	sadd.s32 $0xFFFFFEF7, lr;
	s5 =	simm.s32 $0xFFFFFFFF;
	p2 =	slt.u32 s8, $0xFFFFF086  }
0x1c: {  	p1 =	slt.u32 s9, $0xF7A;
	s5 =	simm.s32 @!p2 $0x0  }
0x1d: {  	s5 =	simm.s32 @p1 $0x1;
	p0 =	seq.s32 s7, s2  }
0x1e: {  	s7 =	smul.u32 @!p0 $0xF7A, s2;
	p2 =	seq.s32 @!p0 s5, $0x0  }
0x1f: {  	s9 =	smul.u32 $0xF7A, s1;
	s8 =	simm.s32 @!p0 $0x1BF5;
	p2 =	por !p2, p0  }
0x20: {  	[sflag:s8] =	ssyncset.s32 @!p0 $0xFFFFF086;
	s6 =	sadd.s32 @!p0 s3, s7;
	s7 =	simm.s32 @!p0 $0x108  }
0x21: {  	s3 =	sadd.s32 s3, s9;
	s6 =	sadd.s32 @!p0 $0x88, s6;
	s7 =	simm.s32 @p2 $0x1082  }
0x22: {  	[simem:s7], [sflag:s8] =	dma.local @!p0 [hbm:s6], $0xF7A  }
0x23: {  	s9 =	sor.u32 $0xD0000000, s2;
	s6 =	simm.s32 $0x108;
	_ =	swait.ge @!p0 [sflag:s8], $0x0  }
0x24: {  	s3 =	sadd.s32 $0x88, s3;
	s6 =	simm.s32 @!p1 $0x1082;
	[sflag:s4] =	ssyncset.s32 $0xFFFFF086  }
0x25: {  	[simem:s6], [sflag:s4] =	dma.local [hbm:s3], $0xF7A  }
0x26: {  	[smem:$0x3F9C] =	sst s1;
	(tag) =	ssettag s2;
	_ =	strace s9  }
0x27: {  	s1 =	sld [smem:$0x3FAC]  }
0x28: {  	s2 =	sld [smem:$0x3FAD]  }
0x29: {  	s4 =	sld [smem:$0x3FAF]  }
0x2a: {  	p0 =	seq.s32 s5, $0x0;
	s5 =	sld [smem:$0x3FB0]  }
0x2b: {  	s6 =	sld [smem:$0x3FB1]  }
0x2c: {  	s7 =	sld [smem:$0x3FB2]  }
0x2d: {  	s3 =	simm.s32 $0x108;
	s8 =	sld [smem:$0x3FB3]  }
0x2e: {  	s3 =	simm.s32 @!p0 $0x1082;
	s9 =	sld [smem:$0x3FB4]  }
0x2f: {  	lr =	sadd.s32 s0, s3;
	s0 =	sld [smem:$0x3FAB]  }
0x30: {  	s3 =	sld [smem:$0x3FAE]  }
0x31: {  	[smem:$0x3FB7] =	sst s10  }
0x32: {  	s10 =	sld [smem:$0x3FB5];
	_ =	sdelay $0x3  }
0x33: {  	p0 =	seq.s32 s10, $0x1;
	s10 =	sld [smem:$0x3FB7];
	_ =	sdelay $0x3  }
0x34: {  	[smem:$0x3FB7] =	sst s10  }
0x35: {  	s10 =	sld [smem:$0x3FB6];
	_ =	sdelay $0x3  }
0x36: {  	p1 =	seq.s32 s10, $0x1;
	s10 =	sld [smem:$0x3FB7];
	_ =	sdelay $0x3  }
0x37: {  	[smem:$0x3FB7] =	sst s10  }
0x38: {  	s10 =	sld [smem:$0x3FB8]  }
0x39: {  	_ = 	snop;
	(pc) =	sbr.ind lr, $3  }
0x3a: {  	_ = 	snop  }
0x3b: {  	_ = 	snop  }
0x3c: {  	p2 =	seq.s32 s10, $0x1;
	s10 =	sld [smem:$0x3FB7]  }
0x3d: {  	_ =	shalt  }
0x3e: {  	_ =	shalt  }
0x3f: {  	_ =	shalt  }
0x40: {  	_ =	shalt  }
0x41: {  	_ =	shalt  }
0x42: {  	_ =	shalt  }
0x43: {  	_ =	shalt  }
0x44: {  	_ =	shalt  }
0x45: {  	_ =	shalt  }
0x46: {  	_ =	shalt  }
0x47: {  	_ =	shalt  }
0x48: {  	_ =	shalt  }
0x49: {  	_ =	shalt  }
0x4a: {  	_ =	shalt  }
0x4b: {  	_ =	shalt  }
0x4c: {  	_ =	shalt  }
0x4d: {  	_ =	shalt  }
0x4e: {  	_ =	shalt  }
0x4f: {  	_ =	shalt  }
0x50: {  	_ =	shalt  }
0x51: {  	_ =	shalt  }
0x52: {  	_ =	shalt  }
0x53: {  	_ =	shalt  }
0x54: {  	_ =	shalt  }
0x55: {  	_ =	shalt  }
0x56: {  	_ =	shalt  }
0x57: {  	_ =	shalt  }
0x58: {  	_ =	shalt  }
0x59: {  	_ =	shalt  }
0x5a: {  	_ =	shalt  }
0x5b: {  	_ =	shalt  }
0x5c: {  	_ =	shalt  }
0x5d: {  	_ =	shalt  }
0x5e: {  	_ =	shalt  }
0x5f: {  	_ =	shalt  }
0x60: {  	_ =	shalt  }
0x61: {  	_ =	shalt  }
0x62: {  	_ =	shalt  }
0x63: {  	_ =	shalt  }
0x64: {  	_ =	shalt  }
0x65: {  	_ =	shalt  }
0x66: {  	_ =	shalt  }
0x67: {  	_ =	shalt  }
0x68: {  	_ =	shalt  }
0x69: {  	_ =	shalt  }
0x6a: {  	_ =	shalt  }
0x6b: {  	_ =	shalt  }
0x6c: {  	_ =	shalt  }
0x6d: {  	_ =	shalt  }
0x6e: {  	_ =	shalt  }
0x6f: {  	_ =	shalt  }
0x70: {  	_ =	shalt  }
0x71: {  	_ =	shalt  }
0x72: {  	_ =	shalt  }
0x73: {  	_ =	shalt  }
0x74: {  	_ =	shalt  }
0x75: {  	_ =	shalt  }
0x76: {  	_ =	shalt  }
0x77: {  	_ =	shalt  }
0x78: {  	_ =	shalt  }
0x79: {  	_ =	shalt  }
0x7a: {  	_ =	shalt  }
0x7b: {  	_ =	shalt  }
0x7c: {  	_ =	shalt  }
0x7d: {  	_ =	shalt  }
0x7e: {  	_ =	shalt  }
0x7f: {  	_ =	shalt  }
0x80: {  	_ =	shalt  }
0x81: {  	_ =	shalt  }
0x82: {  	_ =	shalt  }
0x83: {  	_ =	shalt  }
0x84: {  	_ =	shalt  }
0x85: {  	_ =	shalt  }
0x86: {  	_ =	shalt  }
0x87: {  	_ =	shalt  }
.Lfunc_end0:
.L_simem_size_0:
called_computation_lowered:
.L_overlay_start_0:
0x88: {  	s2 =	sld [smem:$0x3FD9]  }
0x89: {  	s3 =	sld [smem:$0x3FFE];
	_ =	sdelay $0x1  }
0x8a: {  	s1 =	srdreg.scid  }
0x8b: {  	s0 =	sand.u32 $0x1, s1  }
0x8c: {  	s16 =	sshll.u32 s0, $0xA;
	s2 =	sadd.s32 s3, s2  }
0x8d: {  	s2 =	sadd.s32 s2, s16  }
0x8e: {  	[smem:$0x3FC3] =	sst s2  }
0x8f: {  	_ = 	snop  }
0x90: {  	(tm) =	ssettm $0x1  }
0x91: {  	s17 =	sld [smem:$0x3FFB];
	_ =	sdelay $0x3  }
0x92: {  	_ =	strace s17  }
0x93: {  	s2 =	sld [smem:$0x3FFC];
	_ =	sdelay $0x3  }
0x94: {  	_ =	strace s2  }
0x95: {  	s2 =	sld [smem:$0x3FFD];
	_ =	sdelay $0x3  }
0x96: {  	_ =	strace s2  }
0x97: {  	_ =	strace $0x8FFFFFFF  }
0x98: {  	s18 =	sld [smem:$0x3FDB];
	_ =	sdelay $0x1  }
0x99: {  	s19 =	simm.s32 $_scs_section_size  }
0x9a: {  	s4 =	simm.s32 $_size__tile_overlayer_lowered;
	s5 =	simm.s32 $_tile_overlayer_lowered  }
0x9b: {  	s22 =	simm.s32 $0x1BFF;
	s21 =	sshll.u32 s5, $0x1;
	s2 =	sadd.s32 s19, s18  }
0x9c: {  	s6 =	simm.s32 $0x0;
	s20 =	sshll.u32 s4, $0x1;
	s4 =	sadd.s32 s21, s2  }
0x9d: {  	[timem:s6], [sflag:s22] =	dma.local [hbm:s4], s20  }
0x9e: {  	_ =	swait.ge [sflag:s22], s20  }
0x9f: {  	s3 =	ssub.s32 $0x0, s20;
	[sflag:s22] =	ssyncset.done $0x0  }
0xa0: {  	[sflag:s22] =	ssyncadd.s32 s3;
	_ =	sdelay $0x1  }
0xa1: {  	s23 =	simm.s32 $0x1B8B  }
0xa2: {  	_ =	swait.ge [sflag:s23], $0x1  }
0xa3: {  	[sflag:s23] =	ssyncset.done $0x0  }
0xa4: {  	s25 =	simm.s32 $0x1B8E;
	s24 =	sld [smem:$0x3FFE];
	[sflag:s23] =	ssyncadd.s32 $0xFFFFFFFF  }
0xa5: {  	s26 =	simm.s32 $execute0_lowered;
	[smem:$0x3FD2] =	sst s25  }
0xa6: {  	s4 =	sshll.u32 s26, $0x1;
	_ =	strace $0x80000046;
	[dreg:$0x1] =	wrdreg $0xFFFFFFFF  }
0xa7: {  	s28 =	simm.s32 $_size_execute0_lowered;
	s2 =	sadd.s32 s2, s4;
	[dreg:$0x0] =	wrdreg $0x0  }
0xa8: {  	s4 =	sshll.u32 s28, $0x1;
	[dreg:$0x2] =	wrdreg s2  }
0xa9: {  	[dreg:$0x3] =	wrdreg s4  }
0xaa: {  	[dreg:$0x4] =	wrdreg $0xC0  }
0xab: {  	_ =	task [dreg:s6], $0x5FFFF  }
0xac: {  	[dreg:$0x1] =	wrdreg $0xFFFFFFFF  }
0xad: {  	[dreg:$0x0] =	wrdreg $0x60  }
0xae: {  	[dreg:$0x2] =	wrdreg s24  }
0xaf: {  	[dreg:$0x3] =	wrdreg $0xA8000  }
0xb0: {  	[dreg:$0x4] =	wrdreg $0x9  }
0xb1: {  	_ =	task.clear_ibuf [dreg:s6], $0x5FFFF;
	_ =	strace $0x90000046  }
0xb2: {  	s29 =	simm.s32 $0x9;
	_ =	strace $0x80000048  }
0xb3: {  	_ =	swait.ge [sflag:s29], $0x1  }
0xb4: {  	[sflag:s29] =	ssyncadd.s32 $0xFFFFFFFF  }
0xb5: {  	_ =	strace $0x90000048  }
0xb6: {  	_ =	sfence  }
0xb7: {  	s30 =	sld [smem:$0x0];
	_ =	sdelay $0x2  }
0xb8: {  	s31 =	sshll.u32 s1, $0xD;
	s1 =	sshrl.u32 s1, $0x2  }
0xb9: {  	s3 =	sand.u32 $0x4000, s31;
	s1 =	sadd.s32 s1, s30  }
0xba: {  	s0 =	sor.u32 s3, s0;
	s1 =	sshll.u32 s1, $0x11  }
0xbb: {  	s0 =	sor.u32 s1, s0  }
0xbc: {  	s0 =	sadd.s32 $0x8F2B, s0  }
0xbd: {  	[sflag:s0] =	ssyncadd.remote.s32 $0x1  }
0xbe: {  	_ =	sfence.sel $0xFFFF  }
0xbf: {  	[dreg:$0x0] =	wrdreg $0xFFFFFFFF;
	(pc) =	sbr.abs _section_cstart, $3  }
0xc0: {  	[dreg:$0x1] =	wrdreg $0xFFFFFFFF  }
0xc1: {  	_ =	task.clear_ibuf [dreg:s6], $0x2FFFF;
	_ =	strace $0x9FFFFFFF  }
0xc2: {  	(tm) =	ssettm $0x7FFFFFFF  }
0xc3: {  	_ =	shalt  }
tec
execute0_lowered:
.L_overlay_start_1:
0x0: {  	(tag) =	ssettag $0x1  }
0x1: {  	s1 =	srdreg.scid;
	s6 =	rddreg [dreg:$0x0]  }
0x2: {  	s0 =	stileid.u32;
	s2 =	rddreg [dreg:$0x1]  }
0x3: {  	s13 =	simm.s32 $0x2800;
	s14 =	simm.s32 $0x6800;
	s15 =	simm.s32 $0x1  }
0x4: {  	s16 =	simm.s32 $0x2;
	s17 =	simm.s32 $0x2700;
	s18 =	simm.s32 $0x2780  }
0x5: {  	s5 =	sand.u32 $0x1, s1;
	s26 =	sshll.u32 s0, $0x2;
	s19 =	smul.u32 $0x2780, s0  }
0x6: {  	s1 =	rddreg [dreg:$0x2];
	s28 =	smul.u32 $0x4F000, s0;
	s31 =	sshll.u32 s0, $0x6  }
0x7: {  	s3 =	sshll.u32 s5, $0x1;
	s8 =	smul.u32 $0x27800, s5;
	s5 =	ssub.s32 $0x2, s5  }
0x8: {  	s4 =	sor.u32 s3, s26;
	s3 =	simm.s32 $0x0;
	s10 =	sadd.s32 s19, s6  }
0x9: {  	s29 =	sshrl.u32 s5, $0x1;
	s30 =	sshrl.u32 s28, $0x2;
	s7 =	smul.u32 $0x500, s4  }
0xa: {  	[smem:$0x7FF] =	sst s3;
	s4 =	sadd.s32 $0x15600, s6;
	s8 =	sadd.s32 s8, s6  }
0xb: {  	s11 =	ssub.s32 s5, s29;
	s12 =	sadd.s32 s30, s2;
	s5 =	sadd.s32 $0x3CE00, s10  }
0xc: {  	_ =	strace $0x80000047;
	s20 =	sadd.s32 $0x64600, s8;
	s10 =	sshrl.u32 s12, $0x3  }
0xd: {  	s12 =	simm.s32 $0x80;
	s9 =	sadd.s32 s7, s6;
	s6 =	sor.u32 $0x1C03, s31  }
0xe: {  	s7 =	smax.u32 s11, $0x1;
	s11 =	simm.s32 $0x3;
	s19 =	sadd.s32 s19, s20  }
0xf: {  	s20 =	simm.s32 $0x0;
	s8 =	sadd.s32 $0x1600, s9;
	s9 =	sadd.s32 $0x1B00, s9  }
.LBB2_1:
0x10: {  	[spmem:s10], [sflag:s6] =	dma.local [hbm:s5], $0x2780  }
0x11: {  	_ =	swait.ge [sflag:s11], $0x2780  }
0x12: {  	[sflag:s11] =	ssyncset.done $0x0  }
0x13: {  	[sflag:s11] =	ssyncadd.s32 $0xFFFFD880  }
0x14: {  	[bflag:$0x0] =	sbarrier.arrive $0xFFFF  }
0x15: {  	[tilespmem:s3], [sflag:$0x3] =	stream.linear.gather [hbm4b:s8+s3], $0x2800, $0x38;
	[tilespmem:$0x1E400] =	vst v63  }
0x16: {  	_ =	swait.ge [sflag:s11], $0x2800  }
0x17: {  	[sflag:s11] =	ssyncset.done $0x0  }
0x18: {  	[sflag:s11] =	ssyncadd.s32 $0xFFFFD800  }
0x19: {  	[tilespmem:s13], [sflag:$0x1] =	stream.indirect.gather [hbm4b:s4+s12], $0x80, s3, s12, $0xb8;
	[tilespmem:$0x1E400] =	vst v63  }
0x1a: {  	_ = 	snop  }
0x1b: {  	[tilespmem:s14], [sflag:$0x2] =	stream.indirect.gather [hbm4b:s4+s12], $0x80, s12, s12, $0xb8;
	[tilespmem:$0x1E400] =	vst v63  }
0x1c: {  	_ =	swait.ge [sflag:s15], $0x4000  }
0x1d: {  	[sflag:s15] =	ssyncset.done $0x0  }
0x1e: {  	s21 =	simm.s32 $0x1400;
	[sflag:s15] =	ssyncadd.s32 $0xFFFFC000  }
0x1f: {  	[spmem:s2] =	stream.indirect.scatter.add.f32 [tilespmem:s13], [sflag:$0x3], $0x80, s21, s12, $0xb8;
	[tilespmem:$0x1E400] =	vst v63  }
0x20: {  	_ =	swait.ge [sflag:s11], $0x4000  }
0x21: {  	[sflag:s11] =	ssyncset.done $0x0  }
0x22: {  	s30 =	simm.s32 $0x100;
	[sflag:s11] =	ssyncadd.s32 $0xFFFFC000  }
0x23: {  	[tilespmem:s13], [sflag:$0x1] =	stream.indirect.gather [hbm4b:s4+s12], $0x80, s30, s12, $0xb8;
	[tilespmem:$0x1E400] =	vst v63  }
0x24: {  	_ =	swait.ge [sflag:s16], $0x4000  }
0x25: {  	[sflag:s16] =	ssyncset.done $0x0  }
0x26: {  	s31 =	simm.s32 $0x1480;
	[sflag:s16] =	ssyncadd.s32 $0xFFFFC000  }
0x27: {  	[spmem:s2] =	stream.indirect.scatter.add.f32 [tilespmem:s14], [sflag:$0x3], $0x80, s31, s12, $0xb8;
	[tilespmem:$0x1E400] =	vst v63  }
0x28: {  	_ =	swait.ge [sflag:s11], $0x4000  }
0x29: {  	[sflag:s11] =	ssyncset.done $0x0  }
0x2a: {  	s22 =	simm.s32 $0x180;
	s21 =	simm.s32 $0x800;
	[sflag:s11] =	ssyncadd.s32 $0xFFFFC000  }
.LBB2_2:
0x2b: {  	[tilespmem:s14], [sflag:$0x2] =	stream.indirect.gather [hbm4b:s4+s12], $0x80, s22, s12, $0xb8;
	[tilespmem:$0x1E400] =	vst v63  }
0x2c: {  	s22 =	smov.u32 s21  }
0x2d: {  	p0 =	sne.s32 s21, $0x4C00;
	s21 =	sadd.s32 $0x400, s21;
	_ =	swait.ge [sflag:s15], $0x4000  }
0x2e: {  	s22 =	sshra.s32 s22, $0x2;
	[sflag:s15] =	ssyncset.done $0x0  }
0x2f: {  	s23 =	sadd.s32 $0x1300, s22;
	[sflag:s15] =	ssyncadd.s32 $0xFFFFC000  }
0x30: {  	[spmem:s2] =	stream.indirect.scatter.add.f32 [tilespmem:s13], [sflag:$0x3], $0x80, s23, s12, $0xb8;
	[tilespmem:$0x1E400] =	vst v63  }
0x31: {  	_ =	swait.ge [sflag:s11], $0x4000  }
0x32: {  	[sflag:s11] =	ssyncset.done $0x0  }
0x33: {  	[sflag:s11] =	ssyncadd.s32 $0xFFFFC000  }
0x34: {  	[tilespmem:s13], [sflag:$0x1] =	stream.indirect.gather [hbm4b:s4+s12], $0x80, s22, s12, $0xb8;
	[tilespmem:$0x1E400] =	vst v63  }
0x35: {  	_ =	swait.ge [sflag:s16], $0x4000  }
0x36: {  	[sflag:s16] =	ssyncset.done $0x0  }
.Ltmp0:
0x37: {  	s23 =	sadd.s32 $0x1380, s22;
	[sflag:s16] =	ssyncadd.s32 $0xFFFFC000;
	(pc) =	sbr.rel @p0 .LBB2_2-.Ltmp0, $4  }
0x38: {  	[spmem:s2] =	stream.indirect.scatter.add.f32 [tilespmem:s14], [sflag:$0x3], $0x80, s23, s12, $0xb8;
	[tilespmem:$0x1E400] =	vst v63  }
0x39: {  	_ =	swait.ge [sflag:s11], $0x4000  }
0x3a: {  	[sflag:s11] =	ssyncset.done $0x0  }
0x3b: {  	s22 =	sadd.s32 $0x80, s22;
	[sflag:s11] =	ssyncadd.s32 $0xFFFFC000  }
0x3c: {  	[tilespmem:s14], [sflag:$0x2] =	stream.indirect.gather [hbm4b:s4+s12], $0x80, s22, s12, $0xb8;
	[tilespmem:$0x1E400] =	vst v63  }
0x3d: {  	_ =	swait.ge [sflag:s15], $0x4000  }
0x3e: {  	[sflag:s15] =	ssyncset.done $0x0  }
0x3f: {  	[sflag:s15] =	ssyncadd.s32 $0xFFFFC000  }
0x40: {  	[spmem:s2] =	stream.indirect.scatter.add.f32 [tilespmem:s13], [sflag:$0x3], $0x80, s17, s12, $0xb8;
	[tilespmem:$0x1E400] =	vst v63  }
0x41: {  	_ =	swait.ge [sflag:s11], $0x4000  }
0x42: {  	[sflag:s11] =	ssyncset.done $0x0  }
0x43: {  	[sflag:s11] =	ssyncadd.s32 $0xFFFFC000  }
0x44: {  	_ =	swait.ge [sflag:s16], $0x4000  }
0x45: {  	[sflag:s16] =	ssyncset.done $0x0  }
0x46: {  	[sflag:s16] =	ssyncadd.s32 $0xFFFFC000  }
0x47: {  	[spmem:s2] =	stream.indirect.scatter.add.f32 [tilespmem:s14], [sflag:$0x3], $0x80, s18, s12, $0xb8;
	[tilespmem:$0x1E400] =	vst v63  }
0x48: {  	_ =	swait.ge [sflag:s11], $0x4000  }
0x49: {  	[sflag:s11] =	ssyncset.done $0x0  }
0x4a: {  	[sflag:s11] =	ssyncadd.s32 $0xFFFFC000  }
0x4b: {  	[tilespmem:s3], [sflag:$0x3] =	stream.linear.gather [hbm4b:s9+s3], $0x2800, $0x38;
	[tilespmem:$0x1E400] =	vst v63  }
0x4c: {  	_ =	swait.ge [sflag:s11], $0x2800  }
0x4d: {  	[sflag:s11] =	ssyncset.done $0x0  }
0x4e: {  	[sflag:s11] =	ssyncadd.s32 $0xFFFFD800  }
0x4f: {  	[tilespmem:s13], [sflag:$0x1] =	stream.indirect.gather [hbm4b:s4+s12], $0x80, s3, s12, $0xb8;
	[tilespmem:$0x1E400] =	vst v63  }
0x50: {  	_ = 	snop  }
0x51: {  	[tilespmem:s14], [sflag:$0x2] =	stream.indirect.gather [hbm4b:s4+s12], $0x80, s12, s12, $0xb8;
	[tilespmem:$0x1E400] =	vst v63  }
0x52: {  	_ =	swait.ge [sflag:s15], $0x4000  }
0x53: {  	[sflag:s15] =	ssyncset.done $0x0  }
0x54: {  	s21 =	simm.s32 $0x1400;
	[sflag:s15] =	ssyncadd.s32 $0xFFFFC000  }
0x55: {  	[spmem:s2] =	stream.indirect.scatter.add.f32 [tilespmem:s13], [sflag:$0x3], $0x80, s21, s12, $0xb8;
	[tilespmem:$0x1E400] =	vst v63  }
0x56: {  	_ =	swait.ge [sflag:s11], $0x4000  }
0x57: {  	[sflag:s11] =	ssyncset.done $0x0  }
0x58: {  	s30 =	simm.s32 $0x100;
	[sflag:s11] =	ssyncadd.s32 $0xFFFFC000  }
0x59: {  	[tilespmem:s13], [sflag:$0x1] =	stream.indirect.gather [hbm4b:s4+s12], $0x80, s30, s12, $0xb8;
	[tilespmem:$0x1E400] =	vst v63  }
0x5a: {  	_ =	swait.ge [sflag:s16], $0x4000  }
0x5b: {  	[sflag:s16] =	ssyncset.done $0x0  }
0x5c: {  	s31 =	simm.s32 $0x1480;
	[sflag:s16] =	ssyncadd.s32 $0xFFFFC000  }
0x5d: {  	[spmem:s2] =	stream.indirect.scatter.add.f32 [tilespmem:s14], [sflag:$0x3], $0x80, s31, s12, $0xb8;
	[tilespmem:$0x1E400] =	vst v63  }
0x5e: {  	_ =	swait.ge [sflag:s11], $0x4000  }
0x5f: {  	[sflag:s11] =	ssyncset.done $0x0  }
0x60: {  	s22 =	simm.s32 $0x180;
	s21 =	simm.s32 $0x800;
	[sflag:s11] =	ssyncadd.s32 $0xFFFFC000  }
.LBB2_4:
0x61: {  	[tilespmem:s14], [sflag:$0x2] =	stream.indirect.gather [hbm4b:s4+s12], $0x80, s22, s12, $0xb8;
	[tilespmem:$0x1E400] =	vst v63  }
0x62: {  	s22 =	smov.u32 s21  }
0x63: {  	p0 =	sne.s32 s21, $0x4C00;
	s21 =	sadd.s32 $0x400, s21;
	_ =	swait.ge [sflag:s15], $0x4000  }
0x64: {  	s22 =	sshra.s32 s22, $0x2;
	[sflag:s15] =	ssyncset.done $0x0  }
0x65: {  	s23 =	sadd.s32 $0x1300, s22;
	[sflag:s15] =	ssyncadd.s32 $0xFFFFC000  }
0x66: {  	[spmem:s2] =	stream.indirect.scatter.add.f32 [tilespmem:s13], [sflag:$0x3], $0x80, s23, s12, $0xb8;
	[tilespmem:$0x1E400] =	vst v63  }
0x67: {  	_ =	swait.ge [sflag:s11], $0x4000  }
0x68: {  	[sflag:s11] =	ssyncset.done $0x0  }
0x69: {  	[sflag:s11] =	ssyncadd.s32 $0xFFFFC000  }
0x6a: {  	[tilespmem:s13], [sflag:$0x1] =	stream.indirect.gather [hbm4b:s4+s12], $0x80, s22, s12, $0xb8;
	[tilespmem:$0x1E400] =	vst v63  }
0x6b: {  	_ =	swait.ge [sflag:s16], $0x4000  }
0x6c: {  	[sflag:s16] =	ssyncset.done $0x0  }
.Ltmp1:
0x6d: {  	s23 =	sadd.s32 $0x1380, s22;
	[sflag:s16] =	ssyncadd.s32 $0xFFFFC000;
	(pc) =	sbr.rel @p0 .LBB2_4-.Ltmp1, $4  }
0x6e: {  	[spmem:s2] =	stream.indirect.scatter.add.f32 [tilespmem:s14], [sflag:$0x3], $0x80, s23, s12, $0xb8;
	[tilespmem:$0x1E400] =	vst v63  }
0x6f: {  	_ =	swait.ge [sflag:s11], $0x4000  }
0x70: {  	[sflag:s11] =	ssyncset.done $0x0  }
0x71: {  	s22 =	sadd.s32 $0x80, s22;
	[sflag:s11] =	ssyncadd.s32 $0xFFFFC000  }
0x72: {  	[tilespmem:s14], [sflag:$0x2] =	stream.indirect.gather [hbm4b:s4+s12], $0x80, s22, s12, $0xb8;
	[tilespmem:$0x1E400] =	vst v63  }
0x73: {  	_ =	swait.ge [sflag:s15], $0x4000  }
0x74: {  	[sflag:s15] =	ssyncset.done $0x0  }
0x75: {  	[sflag:s15] =	ssyncadd.s32 $0xFFFFC000  }
0x76: {  	[spmem:s2] =	stream.indirect.scatter.add.f32 [tilespmem:s13], [sflag:$0x3], $0x80, s17, s12, $0xb8;
	[tilespmem:$0x1E400] =	vst v63  }
0x77: {  	_ =	swait.ge [sflag:s11], $0x4000  }
0x78: {  	[sflag:s11] =	ssyncset.done $0x0  }
0x79: {  	[sflag:s11] =	ssyncadd.s32 $0xFFFFC000  }
0x7a: {  	_ =	swait.ge [sflag:s16], $0x4000  }
0x7b: {  	[sflag:s16] =	ssyncset.done $0x0  }
0x7c: {  	[sflag:s16] =	ssyncadd.s32 $0xFFFFC000  }
0x7d: {  	[spmem:s2] =	stream.indirect.scatter.add.f32 [tilespmem:s14], [sflag:$0x3], $0x80, s18, s12, $0xb8;
	[tilespmem:$0x1E400] =	vst v63  }
0x7e: {  	_ =	swait.ge [sflag:s11], $0x4000  }
0x7f: {  	s20 =	sadd.s32 $0x1, s20;
	[sflag:s11] =	ssyncset.done $0x0  }
0x80: {  	p0 =	sne.s32 s20, s7;
	[sflag:s11] =	ssyncadd.s32 $0xFFFFC000  }
.Ltmp2:
0x81: {  	[bflag:$0x0] =	sbarrier.arrive $0xFFFF;
	(pc) =	sbr.rel @p0 .LBB2_1-.Ltmp2, $4  }
0x82: {  	[hbm:s19], [sflag:s6] =	dma.local [spmem:s10], $0x2780  }
0x83: {  	_ =	swait.ge [sflag:s11], $0x2780  }
0x84: {  	[sflag:s11] =	ssyncset.done $0x0  }
0x85: {  	[sflag:s11] =	ssyncadd.s32 $0xFFFFD880  }
0x86: {  	_ =	sfence.sel $0x180000  }
0x87: {  	[bflag:$0x0] =	sbarrier.arrive $0xFFFF  }
0x88: {  	p0 =	sne.s32 s0, $0x0;
	_ =	strace $0x90000047  }
0x89: {  	s0 =	sadd.s32 @!p0 $0x100000, s1;
	[bflag:$0x2] =	sbarrier.arrive $0xFFFF  }
0x8a: {  	[sflag:s0] =	ssyncadd.tile.s32 @!p0 $0x1;
	_ =	shalt  }
.Lfunc_end2:
_tile_overlayer_lowered:
.L_overlay_start_2:
0x8b: {  	(tag) =	ssettag $0x2  }
0x8c: {  	s0 =	rddreg [dreg:$0x0];
	s2 =	stileid.u32  }
0x8d: {  	s1 =	rddreg [dreg:$0x1];
	p0 =	sne.s32 s2, $0x0  }
0x8e: {  	s3 =	rddreg [dreg:$0x2];
	[bflag:$0x3] =	sbarrier.arrive $0xFFFF;
	s2 =	simm.s32 @!p0 $0x1C03  }
0x8f: {  	[timem:s3], [sflag:s2] =	dma.local @!p0 [hbm:s0], s1  }
0x90: {  	s0 =	simm.s32 @!p0 $0x3  }
0x91: {  	_ =	swait.ge @!p0 [sflag:s0], s1  }
0x92: {  	s1 =	ssub.s32 @!p0 $0x0, s1;
	[sflag:s0] =	ssyncset.done @!p0 $0x0  }
0x93: {  	[sflag:s0] =	ssyncadd.s32 @!p0 s1  }
0x94: {  	[bflag:$0x3] =	sbarrier.arrive $0xFFFF  }
0x95: {  	_ =	shalt  }

</sc_bundles>
